<compile_context>
chip_gen: v7x
topology: tpu7x:2x2x1
jax: 0.10.2.dev20260603
libtpu: 0.0.44.dev20260713+nightly
codegen_flags: <defaults>
</compile_context>

<pallas_src>
import functools

import jax
import jax.numpy as jnp
from jax import lax
from jax.experimental import pallas as pl
from jax.experimental.pallas import tpu as pltpu
from jax.experimental.pallas import tpu_sc as plsc

E = 320000
NUM_CATS = 9
D = 128
NC = 2
NS = 16
NW = NC * NS
B_PER_W = E // NW
BLK = 128
NBUF = 6
FULL_BLKS = B_PER_W // BLK
NGROUPS = FULL_BLKS // NBUF
TAIL = B_PER_W - FULL_BLKS * BLK


def _lookup_body(idx_hbm, table_hbm, out_hbm, idx_v, rows_v, table_sh, gsems, wsems):
    c = lax.axis_index("c")
    s = lax.axis_index("s")
    wid = s * NC + c
    base = wid * B_PER_W

    pltpu.sync_copy(table_hbm, table_sh.at[pl.ds(s * NUM_CATS, NUM_CATS)])
    pltpu.sync_copy(idx_hbm.at[pl.ds(base, B_PER_W)], idx_v)

    roff = s * NUM_CATS

    def retarget(j, nvec):
        def step(i, carry):
            sl = pl.ds(j * BLK + i * 16, 16)
            idx_v[sl] = idx_v[sl] + roff
            return carry

        lax.fori_loop(0, nvec, step, 0)

    def start_gather(j, b):
        pltpu.make_async_copy(
            table_sh.at[idx_v.at[pl.ds(j * BLK, BLK)]], rows_v.at[b], gsems[b]
        ).start()

    def wait_gather(b):
        pltpu.make_async_copy(
            table_sh.at[idx_v.at[pl.ds(0, BLK)]], rows_v.at[b], gsems[b]
        ).wait()

    def start_write(j, b):
        pltpu.make_async_copy(
            rows_v.at[b], out_hbm.at[pl.ds(base + j * BLK, BLK)], wsems[b]
        ).start()

    def wait_write(b):
        pltpu.make_async_copy(
            rows_v.at[b], out_hbm.at[pl.ds(base, BLK)], wsems[b]
        ).wait()

    for b in range(NBUF):
        retarget(b, BLK // 16)
        start_gather(b, b)

    def group(o, carry):
        @pl.when(o + 1 < NGROUPS)
        def _():
            for b in range(NBUF):
                retarget((o + 1) * NBUF + b, BLK // 16)

        for b in range(NBUF):
            wait_gather(b)
            start_write(o * NBUF + b, b)

        @pl.when(o + 1 < NGROUPS)
        def _():
            for b in range(NBUF):
                wait_write(b)
                start_gather((o + 1) * NBUF + b, b)

        return carry

    lax.fori_loop(0, NGROUPS, group, 0)

    for b in range(NBUF):
        wait_write(b)

    toff = FULL_BLKS * BLK
    retarget(FULL_BLKS, TAIL // 16)
    pltpu.async_copy(
        table_sh.at[idx_v.at[pl.ds(toff, TAIL)]],
        rows_v.at[0, pl.ds(0, TAIL)],
        gsems[0],
    ).wait()
    pltpu.sync_copy(
        rows_v.at[0, pl.ds(0, TAIL)], out_hbm.at[pl.ds(base + toff, TAIL)]
    )


@functools.partial(
    pl.kernel,
    mesh=plsc.VectorSubcoreMesh(core_axis_name="c", subcore_axis_name="s"),
    out_type=jax.ShapeDtypeStruct((E, D), jnp.float32),
    scratch_types=[
        pltpu.VMEM((B_PER_W,), jnp.int32),
        pltpu.VMEM((NBUF, BLK, D), jnp.float32),
        pltpu.VMEM_SHARED((NS * NUM_CATS, D), jnp.float32),
    ]
    + [pltpu.SemaphoreType.DMA] * (2 * NBUF),
)
def _lookup(idx_hbm, table_hbm, out_hbm, idx_v, rows_v, table_sh, *sems):
    _lookup_body(
        idx_hbm, table_hbm, out_hbm, idx_v, rows_v, table_sh,
        sems[:NBUF], sems[NBUF:],
    )


def kernel(edge_attr, table0):
    idx = edge_attr.reshape(E)
    return _lookup(idx, table0)

# --- scband reference (transcript-rebuilt; emitter-appended) ---
"""Pipeline reference for scband-bond-encoder-46806553591816 (READ-ONLY COPY).

The authoritative reference and input builder live on the scoring server;
editing this copy changes nothing except your own understanding.
"""

import jax, jax.numpy as jnp
import numpy as np

E = 320000
NUM_CATS = 9
EMB_DIM = 128

def setup_inputs(seed: int = 0) -> dict:
    key = jax.random.key(seed)
    k1, k2 = jax.random.split(key)
    edge_attr = jax.random.randint(k1, (E, 1), 0, NUM_CATS, dtype=jnp.int64 if jax.config.read('jax_enable_x64') else jnp.int32)
    edge_attr = edge_attr.astype(jnp.int32)
    # Xavier uniform init for embedding table [9, 128]
    a = float(np.sqrt(6.0 / (NUM_CATS + EMB_DIM)))
    table0 = jax.random.uniform(k2, (NUM_CATS, EMB_DIM), dtype=jnp.float32, minval=-a, maxval=a)
    return {"edge_attr": edge_attr, "table0": table0}

def reference(edge_attr, table0):
    # BondEncoder.forward: sum over feature columns of per-column embedding lookups.
    # full_bond_feature_dims = [9] -> single column, single table.
    bond_embedding = 0
    tables = [table0]
    for i in range(edge_attr.shape[1]):
        idx = edge_attr[:, i].astype(jnp.int32)
        bond_embedding = bond_embedding + jnp.take(tables[i], idx, axis=0)
    return bond_embedding

if __name__ == "__main__":
    import jax
    _d = setup_inputs()
    print(jax.jit(kernel)(*tuple(_d.values())))

</pallas_src>

<mosaic_0001>
#map = affine_map<(d0, d1) -> (0)>
#map1 = affine_map<(d0, d1) -> (0, 0)>
module attributes {stable_mosaic.version = 14 : i64} {
  func.func @_lookup(%arg0: i32, %arg1: i32, %arg2: memref<320000xi32, #tpu.memory_space<hbm>>, %arg3: memref<9x128xf32, #tpu.memory_space<hbm>>, %arg4: memref<320000x128xf32, #tpu.memory_space<hbm>>, %arg5: memref<10000xi32, #tpu.memory_space<vmem>>, %arg6: memref<6x128x128xf32, #tpu.memory_space<vmem>>, %arg7: memref<144x128xf32, #tpu.memory_space<vmem_shared>>, %arg8: memref<!tpu.dma_semaphore, #tpu.memory_space<semaphore_mem>>, %arg9: memref<!tpu.dma_semaphore, #tpu.memory_space<semaphore_mem>>, %arg10: memref<!tpu.dma_semaphore, #tpu.memory_space<semaphore_mem>>, %arg11: memref<!tpu.dma_semaphore, #tpu.memory_space<semaphore_mem>>, %arg12: memref<!tpu.dma_semaphore, #tpu.memory_space<semaphore_mem>>, %arg13: memref<!tpu.dma_semaphore, #tpu.memory_space<semaphore_mem>>, %arg14: memref<!tpu.dma_semaphore, #tpu.memory_space<semaphore_mem>>, %arg15: memref<!tpu.dma_semaphore, #tpu.memory_space<semaphore_mem>>, %arg16: memref<!tpu.dma_semaphore, #tpu.memory_space<semaphore_mem>>, %arg17: memref<!tpu.dma_semaphore, #tpu.memory_space<semaphore_mem>>, %arg18: memref<!tpu.dma_semaphore, #tpu.memory_space<semaphore_mem>>, %arg19: memref<!tpu.dma_semaphore, #tpu.memory_space<semaphore_mem>>) attributes {dimension_semantics = [#tpu.dimension_semantics<core_parallel>, #tpu.dimension_semantics<subcore_parallel>], iteration_bounds = array<i64: 2, 16>, scalar_prefetch = 0 : i64, scratch_operands = 15 : i64, tpu.core_type = #tpu.core_type<sc_vector_subcore>, window_params = [{transform_indices = #map}, {transform_indices = #map1}, {transform_indices = #map1}]} {
    %mul3A = arith.constant 2 : i32
    %mul3A_0 = arith.muli %arg1, %mul3A : i32
    %add3A = arith.addi %mul3A_0, %arg0 : i32
    %mul3A_1 = arith.constant 10000 : i32
    %mul3A_2 = arith.muli %add3A, %mul3A_1 : i32
    %mul3A_3 = arith.constant 9 : i32
    %mul3A_4 = arith.muli %arg1, %mul3A_3 : i32
    "tpu.region"() ({
      %run_scoped3A_220 = tpu.sem_alloc : memref<!tpu.dma_semaphore, #tpu.memory_space<semaphore_mem>>
      %dma_start3A_221 = arith.constant 0 : i32
      %dma_start3A_222 = tpu.memref_slice %arg7[%mul3A_4, %dma_start3A_221] : memref<144x128xf32, #tpu.memory_space<vmem_shared>> -> memref<9x128xf32, #tpu.memory_space<vmem_shared>>
      tpu.enqueue_dma source(%arg3 : memref<9x128xf32, #tpu.memory_space<hbm>>) target(%dma_start3A_222 : memref<9x128xf32, #tpu.memory_space<vmem_shared>>) target_semaphore(%run_scoped3A_220 : memref<!tpu.dma_semaphore, #tpu.memory_space<semaphore_mem>>)
      %dma_wait3A_223 = arith.constant 0 : i32
      %dma_wait3A_224 = tpu.memref_slice %arg7[%mul3A_4, %dma_wait3A_223] : memref<144x128xf32, #tpu.memory_space<vmem_shared>> -> memref<9x128xf32, #tpu.memory_space<vmem_shared>>
      tpu.wait_dma2 semaphore(%run_scoped3A_220 : memref<!tpu.dma_semaphore, #tpu.memory_space<semaphore_mem>>) src(%arg3 : memref<9x128xf32, #tpu.memory_space<hbm>>) dst(%dma_wait3A_224 : memref<9x128xf32, #tpu.memory_space<vmem_shared>>)
      tpu.yield
    }) : () -> ()
    "tpu.region"() ({
      %run_scoped3A_220 = tpu.sem_alloc : memref<!tpu.dma_semaphore, #tpu.memory_space<semaphore_mem>>
      %dma_start3A_221 = tpu.memref_slice %arg2[%mul3A_2] : memref<320000xi32, #tpu.memory_space<hbm>> -> memref<10000xi32, #tpu.memory_space<hbm>>
      %dma_start3A_222 = tpu.memref_slice %arg2[%mul3A_2] : memref<320000xi32, #tpu.memory_space<hbm>> -> memref<10000xi32, #tpu.memory_space<hbm>>
      tpu.enqueue_dma source(%dma_start3A_222 : memref<10000xi32, #tpu.memory_space<hbm>>) target(%arg5 : memref<10000xi32, #tpu.memory_space<vmem>>) target_semaphore(%run_scoped3A_220 : memref<!tpu.dma_semaphore, #tpu.memory_space<semaphore_mem>>)
      %dma_wait3A_223 = tpu.memref_slice %arg2[%mul3A_2] : memref<320000xi32, #tpu.memory_space<hbm>> -> memref<10000xi32, #tpu.memory_space<hbm>>
      %dma_wait3A_224 = tpu.memref_slice %arg2[%mul3A_2] : memref<320000xi32, #tpu.memory_space<hbm>> -> memref<10000xi32, #tpu.memory_space<hbm>>
      tpu.wait_dma2 semaphore(%run_scoped3A_220 : memref<!tpu.dma_semaphore, #tpu.memory_space<semaphore_mem>>) src(%dma_wait3A_224 : memref<10000xi32, #tpu.memory_space<hbm>>) dst(%arg5 : memref<10000xi32, #tpu.memory_space<vmem>>)
      tpu.yield
    }) : () -> ()
    %mul3A_5 = arith.constant 9 : i32
    %mul3A_6 = arith.muli %arg1, %mul3A_5 : i32
    %scan3A = arith.constant 0 : i32
    %scan3A_7 = arith.constant 0 : i32
    %scan3A_8 = arith.constant 8 : i32
    %scan3A_9 = arith.addi %scan3A_7, %scan3A_8 : i32
    %scan3A_10 = arith.constant 1 : i32
    scf.for %scan3A_220 = %scan3A_7 to %scan3A_9 step %scan3A_10  : i32 {
      %mul3A_221 = arith.constant 16 : i32
      %mul3A_222 = arith.muli %scan3A_220, %mul3A_221 : i32
      %add3A_223 = arith.constant 0 : i32
      %add3A_224 = arith.addi %add3A_223, %mul3A_222 : i32
      %get3A_225 = arith.index_cast %add3A_224 : i32 to index
      %get3A_226 = tpu.vector_load %arg5[%get3A_225] {strides = array<i32>} : memref<10000xi32, #tpu.memory_space<vmem>>, vector<16xi32>,
      %get3A_227 = vector.shape_cast %get3A_226 : vector<16xi32> to vector<16xi32>
      %add3A_228 = vector.broadcast %mul3A_6 : i32 to vector<16xi32>
      %add3A_229 = arith.addi %get3A_227, %add3A_228 : vector<16xi32>
      %swap3A_230 = arith.index_cast %add3A_224 : i32 to index
      %swap3A_231 = tpu.vector_load %arg5[%swap3A_230] {strides = array<i32>} : memref<10000xi32, #tpu.memory_space<vmem>>, vector<16xi32>,
      %swap3A_232 = vector.shape_cast %swap3A_231 : vector<16xi32> to vector<16xi32>
      %swap3A_233 = vector.shape_cast %add3A_229 : vector<16xi32> to vector<16xi32>
      tpu.vector_store %arg5[%swap3A_230], %swap3A_233 {strides = array<i32>} : memref<10000xi32, #tpu.memory_space<vmem>>, vector<16xi32>,
    }
    %scan3A_11 = arith.constant 8 : i32
    %dma_start3A = arith.constant 0 : i32
    %dma_start3A_12 = arith.constant 0 : i32
    %dma_start3A_13 = arith.constant 0 : i32
    %dma_start3A_14 = tpu.memref_slice %arg6[%dma_start3A, %dma_start3A_12, %dma_start3A_13] : memref<6x128x128xf32, #tpu.memory_space<vmem>> -> memref<1x128x128xf32, #tpu.memory_space<vmem>>
    %dma_start3A_15 = tpu.memref_squeeze %dma_start3A_14 : memref<1x128x128xf32, #tpu.memory_space<vmem>> -> memref<128x128xf32, #tpu.memory_space<vmem>>
    %dma_start3A_16 = arith.constant 0 : i32
    %dma_start3A_17 = tpu.memref_slice %arg5[%dma_start3A_16] : memref<10000xi32, #tpu.memory_space<vmem>> -> memref<128xi32, #tpu.memory_space<vmem>>
    %dma_start3A_18 = arith.constant 0 : i32
    %dma_start3A_19 = arith.constant 0 : i32
    %dma_start3A_20 = tpu.memref_slice %arg7[%dma_start3A_18, %dma_start3A_19] : memref<144x128xf32, #tpu.memory_space<vmem_shared>> -> memref<144x128xf32, #tpu.memory_space<vmem_shared>>
    tpu.enqueue_indirect_dma source(%dma_start3A_20 : memref<144x128xf32, #tpu.memory_space<vmem_shared>>) target(%dma_start3A_15 : memref<128x128xf32, #tpu.memory_space<vmem>>) offsets(%dma_start3A_17 : memref<128xi32, #tpu.memory_space<vmem>>) semaphore(%arg8 : memref<!tpu.dma_semaphore, #tpu.memory_space<semaphore_mem>>)
    %scan3A_21 = arith.constant 0 : i32
    %scan3A_22 = arith.constant 0 : i32
    %scan3A_23 = arith.constant 8 : i32
    %scan3A_24 = arith.addi %scan3A_22, %scan3A_23 : i32
    %scan3A_25 = arith.constant 1 : i32
    scf.for %scan3A_220 = %scan3A_22 to %scan3A_24 step %scan3A_25  : i32 {
      %mul3A_221 = arith.constant 16 : i32
      %mul3A_222 = arith.muli %scan3A_220, %mul3A_221 : i32
      %add3A_223 = arith.constant 128 : i32
      %add3A_224 = arith.addi %add3A_223, %mul3A_222 : i32
      %get3A_225 = arith.index_cast %add3A_224 : i32 to index
      %get3A_226 = tpu.vector_load %arg5[%get3A_225] {strides = array<i32>} : memref<10000xi32, #tpu.memory_space<vmem>>, vector<16xi32>,
      %get3A_227 = vector.shape_cast %get3A_226 : vector<16xi32> to vector<16xi32>
      %add3A_228 = vector.broadcast %mul3A_6 : i32 to vector<16xi32>
      %add3A_229 = arith.addi %get3A_227, %add3A_228 : vector<16xi32>
      %swap3A_230 = arith.index_cast %add3A_224 : i32 to index
      %swap3A_231 = tpu.vector_load %arg5[%swap3A_230] {strides = array<i32>} : memref<10000xi32, #tpu.memory_space<vmem>>, vector<16xi32>,
      %swap3A_232 = vector.shape_cast %swap3A_231 : vector<16xi32> to vector<16xi32>
      %swap3A_233 = vector.shape_cast %add3A_229 : vector<16xi32> to vector<16xi32>
      tpu.vector_store %arg5[%swap3A_230], %swap3A_233 {strides = array<i32>} : memref<10000xi32, #tpu.memory_space<vmem>>, vector<16xi32>,
    }
    %scan3A_26 = arith.constant 8 : i32
    %dma_start3A_27 = arith.constant 1 : i32
    %dma_start3A_28 = arith.constant 0 : i32
    %dma_start3A_29 = arith.constant 0 : i32
    %dma_start3A_30 = tpu.memref_slice %arg6[%dma_start3A_27, %dma_start3A_28, %dma_start3A_29] : memref<6x128x128xf32, #tpu.memory_space<vmem>> -> memref<1x128x128xf32, #tpu.memory_space<vmem>>
    %dma_start3A_31 = tpu.memref_squeeze %dma_start3A_30 : memref<1x128x128xf32, #tpu.memory_space<vmem>> -> memref<128x128xf32, #tpu.memory_space<vmem>>
    %dma_start3A_32 = arith.constant 128 : i32
    %dma_start3A_33 = tpu.memref_slice %arg5[%dma_start3A_32] : memref<10000xi32, #tpu.memory_space<vmem>> -> memref<128xi32, #tpu.memory_space<vmem>>
    %dma_start3A_34 = arith.constant 0 : i32
    %dma_start3A_35 = arith.constant 0 : i32
    %dma_start3A_36 = tpu.memref_slice %arg7[%dma_start3A_34, %dma_start3A_35] : memref<144x128xf32, #tpu.memory_space<vmem_shared>> -> memref<144x128xf32, #tpu.memory_space<vmem_shared>>
    tpu.enqueue_indirect_dma source(%dma_start3A_36 : memref<144x128xf32, #tpu.memory_space<vmem_shared>>) target(%dma_start3A_31 : memref<128x128xf32, #tpu.memory_space<vmem>>) offsets(%dma_start3A_33 : memref<128xi32, #tpu.memory_space<vmem>>) semaphore(%arg9 : memref<!tpu.dma_semaphore, #tpu.memory_space<semaphore_mem>>)
    %scan3A_37 = arith.constant 0 : i32
    %scan3A_38 = arith.constant 0 : i32
    %scan3A_39 = arith.constant 8 : i32
    %scan3A_40 = arith.addi %scan3A_38, %scan3A_39 : i32
    %scan3A_41 = arith.constant 1 : i32
    scf.for %scan3A_220 = %scan3A_38 to %scan3A_40 step %scan3A_41  : i32 {
      %mul3A_221 = arith.constant 16 : i32
      %mul3A_222 = arith.muli %scan3A_220, %mul3A_221 : i32
      %add3A_223 = arith.constant 256 : i32
      %add3A_224 = arith.addi %add3A_223, %mul3A_222 : i32
      %get3A_225 = arith.index_cast %add3A_224 : i32 to index
      %get3A_226 = tpu.vector_load %arg5[%get3A_225] {strides = array<i32>} : memref<10000xi32, #tpu.memory_space<vmem>>, vector<16xi32>,
      %get3A_227 = vector.shape_cast %get3A_226 : vector<16xi32> to vector<16xi32>
      %add3A_228 = vector.broadcast %mul3A_6 : i32 to vector<16xi32>
      %add3A_229 = arith.addi %get3A_227, %add3A_228 : vector<16xi32>
      %swap3A_230 = arith.index_cast %add3A_224 : i32 to index
      %swap3A_231 = tpu.vector_load %arg5[%swap3A_230] {strides = array<i32>} : memref<10000xi32, #tpu.memory_space<vmem>>, vector<16xi32>,
      %swap3A_232 = vector.shape_cast %swap3A_231 : vector<16xi32> to vector<16xi32>
      %swap3A_233 = vector.shape_cast %add3A_229 : vector<16xi32> to vector<16xi32>
      tpu.vector_store %arg5[%swap3A_230], %swap3A_233 {strides = array<i32>} : memref<10000xi32, #tpu.memory_space<vmem>>, vector<16xi32>,
    }
    %scan3A_42 = arith.constant 8 : i32
    %dma_start3A_43 = arith.constant 2 : i32
    %dma_start3A_44 = arith.constant 0 : i32
    %dma_start3A_45 = arith.constant 0 : i32
    %dma_start3A_46 = tpu.memref_slice %arg6[%dma_start3A_43, %dma_start3A_44, %dma_start3A_45] : memref<6x128x128xf32, #tpu.memory_space<vmem>> -> memref<1x128x128xf32, #tpu.memory_space<vmem>>
    %dma_start3A_47 = tpu.memref_squeeze %dma_start3A_46 : memref<1x128x128xf32, #tpu.memory_space<vmem>> -> memref<128x128xf32, #tpu.memory_space<vmem>>
    %dma_start3A_48 = arith.constant 256 : i32
    %dma_start3A_49 = tpu.memref_slice %arg5[%dma_start3A_48] : memref<10000xi32, #tpu.memory_space<vmem>> -> memref<128xi32, #tpu.memory_space<vmem>>
    %dma_start3A_50 = arith.constant 0 : i32
    %dma_start3A_51 = arith.constant 0 : i32
    %dma_start3A_52 = tpu.memref_slice %arg7[%dma_start3A_50, %dma_start3A_51] : memref<144x128xf32, #tpu.memory_space<vmem_shared>> -> memref<144x128xf32, #tpu.memory_space<vmem_shared>>
    tpu.enqueue_indirect_dma source(%dma_start3A_52 : memref<144x128xf32, #tpu.memory_space<vmem_shared>>) target(%dma_start3A_47 : memref<128x128xf32, #tpu.memory_space<vmem>>) offsets(%dma_start3A_49 : memref<128xi32, #tpu.memory_space<vmem>>) semaphore(%arg10 : memref<!tpu.dma_semaphore, #tpu.memory_space<semaphore_mem>>)
    %scan3A_53 = arith.constant 0 : i32
    %scan3A_54 = arith.constant 0 : i32
    %scan3A_55 = arith.constant 8 : i32
    %scan3A_56 = arith.addi %scan3A_54, %scan3A_55 : i32
    %scan3A_57 = arith.constant 1 : i32
    scf.for %scan3A_220 = %scan3A_54 to %scan3A_56 step %scan3A_57  : i32 {
      %mul3A_221 = arith.constant 16 : i32
      %mul3A_222 = arith.muli %scan3A_220, %mul3A_221 : i32
      %add3A_223 = arith.constant 384 : i32
      %add3A_224 = arith.addi %add3A_223, %mul3A_222 : i32
      %get3A_225 = arith.index_cast %add3A_224 : i32 to index
      %get3A_226 = tpu.vector_load %arg5[%get3A_225] {strides = array<i32>} : memref<10000xi32, #tpu.memory_space<vmem>>, vector<16xi32>,
      %get3A_227 = vector.shape_cast %get3A_226 : vector<16xi32> to vector<16xi32>
      %add3A_228 = vector.broadcast %mul3A_6 : i32 to vector<16xi32>
      %add3A_229 = arith.addi %get3A_227, %add3A_228 : vector<16xi32>
      %swap3A_230 = arith.index_cast %add3A_224 : i32 to index
      %swap3A_231 = tpu.vector_load %arg5[%swap3A_230] {strides = array<i32>} : memref<10000xi32, #tpu.memory_space<vmem>>, vector<16xi32>,
      %swap3A_232 = vector.shape_cast %swap3A_231 : vector<16xi32> to vector<16xi32>
      %swap3A_233 = vector.shape_cast %add3A_229 : vector<16xi32> to vector<16xi32>
      tpu.vector_store %arg5[%swap3A_230], %swap3A_233 {strides = array<i32>} : memref<10000xi32, #tpu.memory_space<vmem>>, vector<16xi32>,
    }
    %scan3A_58 = arith.constant 8 : i32
    %dma_start3A_59 = arith.constant 3 : i32
    %dma_start3A_60 = arith.constant 0 : i32
    %dma_start3A_61 = arith.constant 0 : i32
    %dma_start3A_62 = tpu.memref_slice %arg6[%dma_start3A_59, %dma_start3A_60, %dma_start3A_61] : memref<6x128x128xf32, #tpu.memory_space<vmem>> -> memref<1x128x128xf32, #tpu.memory_space<vmem>>
    %dma_start3A_63 = tpu.memref_squeeze %dma_start3A_62 : memref<1x128x128xf32, #tpu.memory_space<vmem>> -> memref<128x128xf32, #tpu.memory_space<vmem>>
    %dma_start3A_64 = arith.constant 384 : i32
    %dma_start3A_65 = tpu.memref_slice %arg5[%dma_start3A_64] : memref<10000xi32, #tpu.memory_space<vmem>> -> memref<128xi32, #tpu.memory_space<vmem>>
    %dma_start3A_66 = arith.constant 0 : i32
    %dma_start3A_67 = arith.constant 0 : i32
    %dma_start3A_68 = tpu.memref_slice %arg7[%dma_start3A_66, %dma_start3A_67] : memref<144x128xf32, #tpu.memory_space<vmem_shared>> -> memref<144x128xf32, #tpu.memory_space<vmem_shared>>
    tpu.enqueue_indirect_dma source(%dma_start3A_68 : memref<144x128xf32, #tpu.memory_space<vmem_shared>>) target(%dma_start3A_63 : memref<128x128xf32, #tpu.memory_space<vmem>>) offsets(%dma_start3A_65 : memref<128xi32, #tpu.memory_space<vmem>>) semaphore(%arg11 : memref<!tpu.dma_semaphore, #tpu.memory_space<semaphore_mem>>)
    %scan3A_69 = arith.constant 0 : i32
    %scan3A_70 = arith.constant 0 : i32
    %scan3A_71 = arith.constant 8 : i32
    %scan3A_72 = arith.addi %scan3A_70, %scan3A_71 : i32
    %scan3A_73 = arith.constant 1 : i32
    scf.for %scan3A_220 = %scan3A_70 to %scan3A_72 step %scan3A_73  : i32 {
      %mul3A_221 = arith.constant 16 : i32
      %mul3A_222 = arith.muli %scan3A_220, %mul3A_221 : i32
      %add3A_223 = arith.constant 512 : i32
      %add3A_224 = arith.addi %add3A_223, %mul3A_222 : i32
      %get3A_225 = arith.index_cast %add3A_224 : i32 to index
      %get3A_226 = tpu.vector_load %arg5[%get3A_225] {strides = array<i32>} : memref<10000xi32, #tpu.memory_space<vmem>>, vector<16xi32>,
      %get3A_227 = vector.shape_cast %get3A_226 : vector<16xi32> to vector<16xi32>
      %add3A_228 = vector.broadcast %mul3A_6 : i32 to vector<16xi32>
      %add3A_229 = arith.addi %get3A_227, %add3A_228 : vector<16xi32>
      %swap3A_230 = arith.index_cast %add3A_224 : i32 to index
      %swap3A_231 = tpu.vector_load %arg5[%swap3A_230] {strides = array<i32>} : memref<10000xi32, #tpu.memory_space<vmem>>, vector<16xi32>,
      %swap3A_232 = vector.shape_cast %swap3A_231 : vector<16xi32> to vector<16xi32>
      %swap3A_233 = vector.shape_cast %add3A_229 : vector<16xi32> to vector<16xi32>
      tpu.vector_store %arg5[%swap3A_230], %swap3A_233 {strides = array<i32>} : memref<10000xi32, #tpu.memory_space<vmem>>, vector<16xi32>,
    }
    %scan3A_74 = arith.constant 8 : i32
    %dma_start3A_75 = arith.constant 4 : i32
    %dma_start3A_76 = arith.constant 0 : i32
    %dma_start3A_77 = arith.constant 0 : i32
    %dma_start3A_78 = tpu.memref_slice %arg6[%dma_start3A_75, %dma_start3A_76, %dma_start3A_77] : memref<6x128x128xf32, #tpu.memory_space<vmem>> -> memref<1x128x128xf32, #tpu.memory_space<vmem>>
    %dma_start3A_79 = tpu.memref_squeeze %dma_start3A_78 : memref<1x128x128xf32, #tpu.memory_space<vmem>> -> memref<128x128xf32, #tpu.memory_space<vmem>>
    %dma_start3A_80 = arith.constant 512 : i32
    %dma_start3A_81 = tpu.memref_slice %arg5[%dma_start3A_80] : memref<10000xi32, #tpu.memory_space<vmem>> -> memref<128xi32, #tpu.memory_space<vmem>>
    %dma_start3A_82 = arith.constant 0 : i32
    %dma_start3A_83 = arith.constant 0 : i32
    %dma_start3A_84 = tpu.memref_slice %arg7[%dma_start3A_82, %dma_start3A_83] : memref<144x128xf32, #tpu.memory_space<vmem_shared>> -> memref<144x128xf32, #tpu.memory_space<vmem_shared>>
    tpu.enqueue_indirect_dma source(%dma_start3A_84 : memref<144x128xf32, #tpu.memory_space<vmem_shared>>) target(%dma_start3A_79 : memref<128x128xf32, #tpu.memory_space<vmem>>) offsets(%dma_start3A_81 : memref<128xi32, #tpu.memory_space<vmem>>) semaphore(%arg12 : memref<!tpu.dma_semaphore, #tpu.memory_space<semaphore_mem>>)
    %scan3A_85 = arith.constant 0 : i32
    %scan3A_86 = arith.constant 0 : i32
    %scan3A_87 = arith.constant 8 : i32
    %scan3A_88 = arith.addi %scan3A_86, %scan3A_87 : i32
    %scan3A_89 = arith.constant 1 : i32
    scf.for %scan3A_220 = %scan3A_86 to %scan3A_88 step %scan3A_89  : i32 {
      %mul3A_221 = arith.constant 16 : i32
      %mul3A_222 = arith.muli %scan3A_220, %mul3A_221 : i32
      %add3A_223 = arith.constant 640 : i32
      %add3A_224 = arith.addi %add3A_223, %mul3A_222 : i32
      %get3A_225 = arith.index_cast %add3A_224 : i32 to index
      %get3A_226 = tpu.vector_load %arg5[%get3A_225] {strides = array<i32>} : memref<10000xi32, #tpu.memory_space<vmem>>, vector<16xi32>,
      %get3A_227 = vector.shape_cast %get3A_226 : vector<16xi32> to vector<16xi32>
      %add3A_228 = vector.broadcast %mul3A_6 : i32 to vector<16xi32>
      %add3A_229 = arith.addi %get3A_227, %add3A_228 : vector<16xi32>
      %swap3A_230 = arith.index_cast %add3A_224 : i32 to index
      %swap3A_231 = tpu.vector_load %arg5[%swap3A_230] {strides = array<i32>} : memref<10000xi32, #tpu.memory_space<vmem>>, vector<16xi32>,
      %swap3A_232 = vector.shape_cast %swap3A_231 : vector<16xi32> to vector<16xi32>
      %swap3A_233 = vector.shape_cast %add3A_229 : vector<16xi32> to vector<16xi32>
      tpu.vector_store %arg5[%swap3A_230], %swap3A_233 {strides = array<i32>} : memref<10000xi32, #tpu.memory_space<vmem>>, vector<16xi32>,
    }
    %scan3A_90 = arith.constant 8 : i32
    %dma_start3A_91 = arith.constant 5 : i32
    %dma_start3A_92 = arith.constant 0 : i32
    %dma_start3A_93 = arith.constant 0 : i32
    %dma_start3A_94 = tpu.memref_slice %arg6[%dma_start3A_91, %dma_start3A_92, %dma_start3A_93] : memref<6x128x128xf32, #tpu.memory_space<vmem>> -> memref<1x128x128xf32, #tpu.memory_space<vmem>>
    %dma_start3A_95 = tpu.memref_squeeze %dma_start3A_94 : memref<1x128x128xf32, #tpu.memory_space<vmem>> -> memref<128x128xf32, #tpu.memory_space<vmem>>
    %dma_start3A_96 = arith.constant 640 : i32
    %dma_start3A_97 = tpu.memref_slice %arg5[%dma_start3A_96] : memref<10000xi32, #tpu.memory_space<vmem>> -> memref<128xi32, #tpu.memory_space<vmem>>
    %dma_start3A_98 = arith.constant 0 : i32
    %dma_start3A_99 = arith.constant 0 : i32
    %dma_start3A_100 = tpu.memref_slice %arg7[%dma_start3A_98, %dma_start3A_99] : memref<144x128xf32, #tpu.memory_space<vmem_shared>> -> memref<144x128xf32, #tpu.memory_space<vmem_shared>>
    tpu.enqueue_indirect_dma source(%dma_start3A_100 : memref<144x128xf32, #tpu.memory_space<vmem_shared>>) target(%dma_start3A_95 : memref<128x128xf32, #tpu.memory_space<vmem>>) offsets(%dma_start3A_97 : memref<128xi32, #tpu.memory_space<vmem>>) semaphore(%arg13 : memref<!tpu.dma_semaphore, #tpu.memory_space<semaphore_mem>>)
    %scan3A_101 = arith.constant 0 : i32
    %scan3A_102 = arith.constant 0 : i32
    %scan3A_103 = arith.constant 13 : i32
    %scan3A_104 = arith.addi %scan3A_102, %scan3A_103 : i32
    %scan3A_105 = arith.constant 1 : i32
    scf.for %scan3A_220 = %scan3A_102 to %scan3A_104 step %scan3A_105  : i32 {
      %add3A_221 = arith.constant 1 : i32
      %add3A_222 = arith.addi %scan3A_220, %add3A_221 : i32
      %lt3A = arith.constant 13 : i32
      %lt3A_223 = arith.cmpi slt, %add3A_222, %lt3A : i32
      %convert_element_type3A = arith.extui %lt3A_223 : i1 to i32
      %cond3A = arith.constant 0 : i32
      %cond3A_224 = arith.cmpi ne, %convert_element_type3A, %cond3A : i32
      scf.if %cond3A_224 {
        %add3A_412 = arith.constant 1 : i32
        %add3A_413 = arith.addi %scan3A_220, %add3A_412 : i32
        %mul3A_414 = arith.constant 6 : i32
        %mul3A_415 = arith.muli %add3A_413, %mul3A_414 : i32
        %add3A_416 = arith.constant 0 : i32
        %add3A_417 = arith.addi %mul3A_415, %add3A_416 : i32
        %scan3A_418 = arith.constant 0 : i32
        %scan3A_419 = arith.constant 0 : i32
        %scan3A_420 = arith.constant 8 : i32
        %scan3A_421 = arith.addi %scan3A_419, %scan3A_420 : i32
        %scan3A_422 = arith.constant 1 : i32
        scf.for %scan3A_484 = %scan3A_419 to %scan3A_421 step %scan3A_422  : i32 {
          %mul3A_485 = arith.constant 128 : i32
          %mul3A_486 = arith.muli %add3A_417, %mul3A_485 : i32
          %mul3A_487 = arith.constant 16 : i32
          %mul3A_488 = arith.muli %scan3A_484, %mul3A_487 : i32
          %add3A_489 = arith.addi %mul3A_486, %mul3A_488 : i32
          %get3A_490 = arith.index_cast %add3A_489 : i32 to index
          %get3A_491 = tpu.vector_load %arg5[%get3A_490] {strides = array<i32>} : memref<10000xi32, #tpu.memory_space<vmem>>, vector<16xi32>,
          %get3A_492 = vector.shape_cast %get3A_491 : vector<16xi32> to vector<16xi32>
          %add3A_493 = vector.broadcast %mul3A_6 : i32 to vector<16xi32>
          %add3A_494 = arith.addi %get3A_492, %add3A_493 : vector<16xi32>
          %swap3A_495 = arith.index_cast %add3A_489 : i32 to index
          %swap3A_496 = tpu.vector_load %arg5[%swap3A_495] {strides = array<i32>} : memref<10000xi32, #tpu.memory_space<vmem>>, vector<16xi32>,
          %swap3A_497 = vector.shape_cast %swap3A_496 : vector<16xi32> to vector<16xi32>
          %swap3A_498 = vector.shape_cast %add3A_494 : vector<16xi32> to vector<16xi32>
          tpu.vector_store %arg5[%swap3A_495], %swap3A_498 {strides = array<i32>} : memref<10000xi32, #tpu.memory_space<vmem>>, vector<16xi32>,
        }
        %scan3A_423 = arith.constant 8 : i32
        %add3A_424 = arith.constant 1 : i32
        %add3A_425 = arith.addi %scan3A_220, %add3A_424 : i32
        %mul3A_426 = arith.constant 6 : i32
        %mul3A_427 = arith.muli %add3A_425, %mul3A_426 : i32
        %add3A_428 = arith.constant 1 : i32
        %add3A_429 = arith.addi %mul3A_427, %add3A_428 : i32
        %scan3A_430 = arith.constant 0 : i32
        %scan3A_431 = arith.constant 0 : i32
        %scan3A_432 = arith.constant 8 : i32
        %scan3A_433 = arith.addi %scan3A_431, %scan3A_432 : i32
        %scan3A_434 = arith.constant 1 : i32
        scf.for %scan3A_484 = %scan3A_431 to %scan3A_433 step %scan3A_434  : i32 {
          %mul3A_485 = arith.constant 128 : i32
          %mul3A_486 = arith.muli %add3A_429, %mul3A_485 : i32
          %mul3A_487 = arith.constant 16 : i32
          %mul3A_488 = arith.muli %scan3A_484, %mul3A_487 : i32
          %add3A_489 = arith.addi %mul3A_486, %mul3A_488 : i32
          %get3A_490 = arith.index_cast %add3A_489 : i32 to index
          %get3A_491 = tpu.vector_load %arg5[%get3A_490] {strides = array<i32>} : memref<10000xi32, #tpu.memory_space<vmem>>, vector<16xi32>,
          %get3A_492 = vector.shape_cast %get3A_491 : vector<16xi32> to vector<16xi32>
          %add3A_493 = vector.broadcast %mul3A_6 : i32 to vector<16xi32>
          %add3A_494 = arith.addi %get3A_492, %add3A_493 : vector<16xi32>
          %swap3A_495 = arith.index_cast %add3A_489 : i32 to index
          %swap3A_496 = tpu.vector_load %arg5[%swap3A_495] {strides = array<i32>} : memref<10000xi32, #tpu.memory_space<vmem>>, vector<16xi32>,
          %swap3A_497 = vector.shape_cast %swap3A_496 : vector<16xi32> to vector<16xi32>
          %swap3A_498 = vector.shape_cast %add3A_494 : vector<16xi32> to vector<16xi32>
          tpu.vector_store %arg5[%swap3A_495], %swap3A_498 {strides = array<i32>} : memref<10000xi32, #tpu.memory_space<vmem>>, vector<16xi32>,
        }
        %scan3A_435 = arith.constant 8 : i32
        %add3A_436 = arith.constant 1 : i32
        %add3A_437 = arith.addi %scan3A_220, %add3A_436 : i32
        %mul3A_438 = arith.constant 6 : i32
        %mul3A_439 = arith.muli %add3A_437, %mul3A_438 : i32
        %add3A_440 = arith.constant 2 : i32
        %add3A_441 = arith.addi %mul3A_439, %add3A_440 : i32
        %scan3A_442 = arith.constant 0 : i32
        %scan3A_443 = arith.constant 0 : i32
        %scan3A_444 = arith.constant 8 : i32
        %scan3A_445 = arith.addi %scan3A_443, %scan3A_444 : i32
        %scan3A_446 = arith.constant 1 : i32
        scf.for %scan3A_484 = %scan3A_443 to %scan3A_445 step %scan3A_446  : i32 {
          %mul3A_485 = arith.constant 128 : i32
          %mul3A_486 = arith.muli %add3A_441, %mul3A_485 : i32
          %mul3A_487 = arith.constant 16 : i32
          %mul3A_488 = arith.muli %scan3A_484, %mul3A_487 : i32
          %add3A_489 = arith.addi %mul3A_486, %mul3A_488 : i32
          %get3A_490 = arith.index_cast %add3A_489 : i32 to index
          %get3A_491 = tpu.vector_load %arg5[%get3A_490] {strides = array<i32>} : memref<10000xi32, #tpu.memory_space<vmem>>, vector<16xi32>,
          %get3A_492 = vector.shape_cast %get3A_491 : vector<16xi32> to vector<16xi32>
          %add3A_493 = vector.broadcast %mul3A_6 : i32 to vector<16xi32>
          %add3A_494 = arith.addi %get3A_492, %add3A_493 : vector<16xi32>
          %swap3A_495 = arith.index_cast %add3A_489 : i32 to index
          %swap3A_496 = tpu.vector_load %arg5[%swap3A_495] {strides = array<i32>} : memref<10000xi32, #tpu.memory_space<vmem>>, vector<16xi32>,
          %swap3A_497 = vector.shape_cast %swap3A_496 : vector<16xi32> to vector<16xi32>
          %swap3A_498 = vector.shape_cast %add3A_494 : vector<16xi32> to vector<16xi32>
          tpu.vector_store %arg5[%swap3A_495], %swap3A_498 {strides = array<i32>} : memref<10000xi32, #tpu.memory_space<vmem>>, vector<16xi32>,
        }
        %scan3A_447 = arith.constant 8 : i32
        %add3A_448 = arith.constant 1 : i32
        %add3A_449 = arith.addi %scan3A_220, %add3A_448 : i32
        %mul3A_450 = arith.constant 6 : i32
        %mul3A_451 = arith.muli %add3A_449, %mul3A_450 : i32
        %add3A_452 = arith.constant 3 : i32
        %add3A_453 = arith.addi %mul3A_451, %add3A_452 : i32
        %scan3A_454 = arith.constant 0 : i32
        %scan3A_455 = arith.constant 0 : i32
        %scan3A_456 = arith.constant 8 : i32
        %scan3A_457 = arith.addi %scan3A_455, %scan3A_456 : i32
        %scan3A_458 = arith.constant 1 : i32
        scf.for %scan3A_484 = %scan3A_455 to %scan3A_457 step %scan3A_458  : i32 {
          %mul3A_485 = arith.constant 128 : i32
          %mul3A_486 = arith.muli %add3A_453, %mul3A_485 : i32
          %mul3A_487 = arith.constant 16 : i32
          %mul3A_488 = arith.muli %scan3A_484, %mul3A_487 : i32
          %add3A_489 = arith.addi %mul3A_486, %mul3A_488 : i32
          %get3A_490 = arith.index_cast %add3A_489 : i32 to index
          %get3A_491 = tpu.vector_load %arg5[%get3A_490] {strides = array<i32>} : memref<10000xi32, #tpu.memory_space<vmem>>, vector<16xi32>,
          %get3A_492 = vector.shape_cast %get3A_491 : vector<16xi32> to vector<16xi32>
          %add3A_493 = vector.broadcast %mul3A_6 : i32 to vector<16xi32>
          %add3A_494 = arith.addi %get3A_492, %add3A_493 : vector<16xi32>
          %swap3A_495 = arith.index_cast %add3A_489 : i32 to index
          %swap3A_496 = tpu.vector_load %arg5[%swap3A_495] {strides = array<i32>} : memref<10000xi32, #tpu.memory_space<vmem>>, vector<16xi32>,
          %swap3A_497 = vector.shape_cast %swap3A_496 : vector<16xi32> to vector<16xi32>
          %swap3A_498 = vector.shape_cast %add3A_494 : vector<16xi32> to vector<16xi32>
          tpu.vector_store %arg5[%swap3A_495], %swap3A_498 {strides = array<i32>} : memref<10000xi32, #tpu.memory_space<vmem>>, vector<16xi32>,
        }
        %scan3A_459 = arith.constant 8 : i32
        %add3A_460 = arith.constant 1 : i32
        %add3A_461 = arith.addi %scan3A_220, %add3A_460 : i32
        %mul3A_462 = arith.constant 6 : i32
        %mul3A_463 = arith.muli %add3A_461, %mul3A_462 : i32
        %add3A_464 = arith.constant 4 : i32
        %add3A_465 = arith.addi %mul3A_463, %add3A_464 : i32
        %scan3A_466 = arith.constant 0 : i32
        %scan3A_467 = arith.constant 0 : i32
        %scan3A_468 = arith.constant 8 : i32
        %scan3A_469 = arith.addi %scan3A_467, %scan3A_468 : i32
        %scan3A_470 = arith.constant 1 : i32
        scf.for %scan3A_484 = %scan3A_467 to %scan3A_469 step %scan3A_470  : i32 {
          %mul3A_485 = arith.constant 128 : i32
          %mul3A_486 = arith.muli %add3A_465, %mul3A_485 : i32
          %mul3A_487 = arith.constant 16 : i32
          %mul3A_488 = arith.muli %scan3A_484, %mul3A_487 : i32
          %add3A_489 = arith.addi %mul3A_486, %mul3A_488 : i32
          %get3A_490 = arith.index_cast %add3A_489 : i32 to index
          %get3A_491 = tpu.vector_load %arg5[%get3A_490] {strides = array<i32>} : memref<10000xi32, #tpu.memory_space<vmem>>, vector<16xi32>,
          %get3A_492 = vector.shape_cast %get3A_491 : vector<16xi32> to vector<16xi32>
          %add3A_493 = vector.broadcast %mul3A_6 : i32 to vector<16xi32>
          %add3A_494 = arith.addi %get3A_492, %add3A_493 : vector<16xi32>
          %swap3A_495 = arith.index_cast %add3A_489 : i32 to index
          %swap3A_496 = tpu.vector_load %arg5[%swap3A_495] {strides = array<i32>} : memref<10000xi32, #tpu.memory_space<vmem>>, vector<16xi32>,
          %swap3A_497 = vector.shape_cast %swap3A_496 : vector<16xi32> to vector<16xi32>
          %swap3A_498 = vector.shape_cast %add3A_494 : vector<16xi32> to vector<16xi32>
          tpu.vector_store %arg5[%swap3A_495], %swap3A_498 {strides = array<i32>} : memref<10000xi32, #tpu.memory_space<vmem>>, vector<16xi32>,
        }
        %scan3A_471 = arith.constant 8 : i32
        %add3A_472 = arith.constant 1 : i32
        %add3A_473 = arith.addi %scan3A_220, %add3A_472 : i32
        %mul3A_474 = arith.constant 6 : i32
        %mul3A_475 = arith.muli %add3A_473, %mul3A_474 : i32
        %add3A_476 = arith.constant 5 : i32
        %add3A_477 = arith.addi %mul3A_475, %add3A_476 : i32
        %scan3A_478 = arith.constant 0 : i32
        %scan3A_479 = arith.constant 0 : i32
        %scan3A_480 = arith.constant 8 : i32
        %scan3A_481 = arith.addi %scan3A_479, %scan3A_480 : i32
        %scan3A_482 = arith.constant 1 : i32
        scf.for %scan3A_484 = %scan3A_479 to %scan3A_481 step %scan3A_482  : i32 {
          %mul3A_485 = arith.constant 128 : i32
          %mul3A_486 = arith.muli %add3A_477, %mul3A_485 : i32
          %mul3A_487 = arith.constant 16 : i32
          %mul3A_488 = arith.muli %scan3A_484, %mul3A_487 : i32
          %add3A_489 = arith.addi %mul3A_486, %mul3A_488 : i32
          %get3A_490 = arith.index_cast %add3A_489 : i32 to index
          %get3A_491 = tpu.vector_load %arg5[%get3A_490] {strides = array<i32>} : memref<10000xi32, #tpu.memory_space<vmem>>, vector<16xi32>,
          %get3A_492 = vector.shape_cast %get3A_491 : vector<16xi32> to vector<16xi32>
          %add3A_493 = vector.broadcast %mul3A_6 : i32 to vector<16xi32>
          %add3A_494 = arith.addi %get3A_492, %add3A_493 : vector<16xi32>
          %swap3A_495 = arith.index_cast %add3A_489 : i32 to index
          %swap3A_496 = tpu.vector_load %arg5[%swap3A_495] {strides = array<i32>} : memref<10000xi32, #tpu.memory_space<vmem>>, vector<16xi32>,
          %swap3A_497 = vector.shape_cast %swap3A_496 : vector<16xi32> to vector<16xi32>
          %swap3A_498 = vector.shape_cast %add3A_494 : vector<16xi32> to vector<16xi32>
          tpu.vector_store %arg5[%swap3A_495], %swap3A_498 {strides = array<i32>} : memref<10000xi32, #tpu.memory_space<vmem>>, vector<16xi32>,
        }
        %scan3A_483 = arith.constant 8 : i32
      } else {
      }
      %dma_wait3A_225 = arith.constant 0 : i32
      %dma_wait3A_226 = arith.constant 0 : i32
      %dma_wait3A_227 = arith.constant 0 : i32
      %dma_wait3A_228 = tpu.memref_slice %arg6[%dma_wait3A_225, %dma_wait3A_226, %dma_wait3A_227] : memref<6x128x128xf32, #tpu.memory_space<vmem>> -> memref<1x128x128xf32, #tpu.memory_space<vmem>>
      %dma_wait3A_229 = tpu.memref_squeeze %dma_wait3A_228 : memref<1x128x128xf32, #tpu.memory_space<vmem>> -> memref<128x128xf32, #tpu.memory_space<vmem>>
      %dma_wait3A_230 = arith.constant 0 : i32
      %dma_wait3A_231 = tpu.memref_slice %arg5[%dma_wait3A_230] : memref<10000xi32, #tpu.memory_space<vmem>> -> memref<128xi32, #tpu.memory_space<vmem>>
      %dma_wait3A_232 = arith.constant 0 : i32
      %dma_wait3A_233 = arith.constant 0 : i32
      %dma_wait3A_234 = tpu.memref_slice %arg7[%dma_wait3A_232, %dma_wait3A_233] : memref<144x128xf32, #tpu.memory_space<vmem_shared>> -> memref<144x128xf32, #tpu.memory_space<vmem_shared>>
      tpu.wait_indirect_dma semaphore(%arg8 : memref<!tpu.dma_semaphore, #tpu.memory_space<semaphore_mem>>) src(%dma_wait3A_234 : memref<144x128xf32, #tpu.memory_space<vmem_shared>>) dst(%dma_wait3A_229 : memref<128x128xf32, #tpu.memory_space<vmem>>)
      %mul3A_235 = arith.constant 6 : i32
      %mul3A_236 = arith.muli %scan3A_220, %mul3A_235 : i32
      %add3A_237 = arith.constant 0 : i32
      %add3A_238 = arith.addi %mul3A_236, %add3A_237 : i32
      %mul3A_239 = arith.constant 128 : i32
      %mul3A_240 = arith.muli %add3A_238, %mul3A_239 : i32
      %add3A_241 = arith.addi %mul3A_2, %mul3A_240 : i32
      %dma_start3A_242 = arith.constant 0 : i32
      %dma_start3A_243 = arith.constant 0 : i32
      %dma_start3A_244 = arith.constant 0 : i32
      %dma_start3A_245 = tpu.memref_slice %arg6[%dma_start3A_242, %dma_start3A_243, %dma_start3A_244] : memref<6x128x128xf32, #tpu.memory_space<vmem>> -> memref<1x128x128xf32, #tpu.memory_space<vmem>>
      %dma_start3A_246 = tpu.memref_squeeze %dma_start3A_245 : memref<1x128x128xf32, #tpu.memory_space<vmem>> -> memref<128x128xf32, #tpu.memory_space<vmem>>
      %dma_start3A_247 = arith.constant 0 : i32
      %dma_start3A_248 = tpu.memref_slice %arg4[%add3A_241, %dma_start3A_247] : memref<320000x128xf32, #tpu.memory_space<hbm>> -> memref<128x128xf32, #tpu.memory_space<hbm>>
      %dma_start3A_249 = arith.constant 0 : i32
      %dma_start3A_250 = tpu.memref_slice %arg4[%add3A_241, %dma_start3A_249] : memref<320000x128xf32, #tpu.memory_space<hbm>> -> memref<128x128xf32, #tpu.memory_space<hbm>>
      %dma_start3A_251 = arith.constant 0 : i32
      %dma_start3A_252 = arith.constant 0 : i32
      %dma_start3A_253 = tpu.memref_slice %arg6[%dma_start3A_242, %dma_start3A_251, %dma_start3A_252] : memref<6x128x128xf32, #tpu.memory_space<vmem>> -> memref<1x128x128xf32, #tpu.memory_space<vmem>>
      %dma_start3A_254 = tpu.memref_squeeze %dma_start3A_253 : memref<1x128x128xf32, #tpu.memory_space<vmem>> -> memref<128x128xf32, #tpu.memory_space<vmem>>
      tpu.enqueue_dma source(%dma_start3A_254 : memref<128x128xf32, #tpu.memory_space<vmem>>) target(%dma_start3A_250 : memref<128x128xf32, #tpu.memory_space<hbm>>) target_semaphore(%arg14 : memref<!tpu.dma_semaphore, #tpu.memory_space<semaphore_mem>>)
      %dma_wait3A_255 = arith.constant 1 : i32
      %dma_wait3A_256 = arith.constant 0 : i32
      %dma_wait3A_257 = arith.constant 0 : i32
      %dma_wait3A_258 = tpu.memref_slice %arg6[%dma_wait3A_255, %dma_wait3A_256, %dma_wait3A_257] : memref<6x128x128xf32, #tpu.memory_space<vmem>> -> memref<1x128x128xf32, #tpu.memory_space<vmem>>
      %dma_wait3A_259 = tpu.memref_squeeze %dma_wait3A_258 : memref<1x128x128xf32, #tpu.memory_space<vmem>> -> memref<128x128xf32, #tpu.memory_space<vmem>>
      %dma_wait3A_260 = arith.constant 0 : i32
      %dma_wait3A_261 = tpu.memref_slice %arg5[%dma_wait3A_260] : memref<10000xi32, #tpu.memory_space<vmem>> -> memref<128xi32, #tpu.memory_space<vmem>>
      %dma_wait3A_262 = arith.constant 0 : i32
      %dma_wait3A_263 = arith.constant 0 : i32
      %dma_wait3A_264 = tpu.memref_slice %arg7[%dma_wait3A_262, %dma_wait3A_263] : memref<144x128xf32, #tpu.memory_space<vmem_shared>> -> memref<144x128xf32, #tpu.memory_space<vmem_shared>>
      tpu.wait_indirect_dma semaphore(%arg9 : memref<!tpu.dma_semaphore, #tpu.memory_space<semaphore_mem>>) src(%dma_wait3A_264 : memref<144x128xf32, #tpu.memory_space<vmem_shared>>) dst(%dma_wait3A_259 : memref<128x128xf32, #tpu.memory_space<vmem>>)
      %mul3A_265 = arith.constant 6 : i32
      %mul3A_266 = arith.muli %scan3A_220, %mul3A_265 : i32
      %add3A_267 = arith.constant 1 : i32
      %add3A_268 = arith.addi %mul3A_266, %add3A_267 : i32
      %mul3A_269 = arith.constant 128 : i32
      %mul3A_270 = arith.muli %add3A_268, %mul3A_269 : i32
      %add3A_271 = arith.addi %mul3A_2, %mul3A_270 : i32
      %dma_start3A_272 = arith.constant 1 : i32
      %dma_start3A_273 = arith.constant 0 : i32
      %dma_start3A_274 = arith.constant 0 : i32
      %dma_start3A_275 = tpu.memref_slice %arg6[%dma_start3A_272, %dma_start3A_273, %dma_start3A_274] : memref<6x128x128xf32, #tpu.memory_space<vmem>> -> memref<1x128x128xf32, #tpu.memory_space<vmem>>
      %dma_start3A_276 = tpu.memref_squeeze %dma_start3A_275 : memref<1x128x128xf32, #tpu.memory_space<vmem>> -> memref<128x128xf32, #tpu.memory_space<vmem>>
      %dma_start3A_277 = arith.constant 0 : i32
      %dma_start3A_278 = tpu.memref_slice %arg4[%add3A_271, %dma_start3A_277] : memref<320000x128xf32, #tpu.memory_space<hbm>> -> memref<128x128xf32, #tpu.memory_space<hbm>>
      %dma_start3A_279 = arith.constant 0 : i32
      %dma_start3A_280 = tpu.memref_slice %arg4[%add3A_271, %dma_start3A_279] : memref<320000x128xf32, #tpu.memory_space<hbm>> -> memref<128x128xf32, #tpu.memory_space<hbm>>
      %dma_start3A_281 = arith.constant 0 : i32
      %dma_start3A_282 = arith.constant 0 : i32
      %dma_start3A_283 = tpu.memref_slice %arg6[%dma_start3A_272, %dma_start3A_281, %dma_start3A_282] : memref<6x128x128xf32, #tpu.memory_space<vmem>> -> memref<1x128x128xf32, #tpu.memory_space<vmem>>
      %dma_start3A_284 = tpu.memref_squeeze %dma_start3A_283 : memref<1x128x128xf32, #tpu.memory_space<vmem>> -> memref<128x128xf32, #tpu.memory_space<vmem>>
      tpu.enqueue_dma source(%dma_start3A_284 : memref<128x128xf32, #tpu.memory_space<vmem>>) target(%dma_start3A_280 : memref<128x128xf32, #tpu.memory_space<hbm>>) target_semaphore(%arg15 : memref<!tpu.dma_semaphore, #tpu.memory_space<semaphore_mem>>)
      %dma_wait3A_285 = arith.constant 2 : i32
      %dma_wait3A_286 = arith.constant 0 : i32
      %dma_wait3A_287 = arith.constant 0 : i32
      %dma_wait3A_288 = tpu.memref_slice %arg6[%dma_wait3A_285, %dma_wait3A_286, %dma_wait3A_287] : memref<6x128x128xf32, #tpu.memory_space<vmem>> -> memref<1x128x128xf32, #tpu.memory_space<vmem>>
      %dma_wait3A_289 = tpu.memref_squeeze %dma_wait3A_288 : memref<1x128x128xf32, #tpu.memory_space<vmem>> -> memref<128x128xf32, #tpu.memory_space<vmem>>
      %dma_wait3A_290 = arith.constant 0 : i32
      %dma_wait3A_291 = tpu.memref_slice %arg5[%dma_wait3A_290] : memref<10000xi32, #tpu.memory_space<vmem>> -> memref<128xi32, #tpu.memory_space<vmem>>
      %dma_wait3A_292 = arith.constant 0 : i32
      %dma_wait3A_293 = arith.constant 0 : i32
      %dma_wait3A_294 = tpu.memref_slice %arg7[%dma_wait3A_292, %dma_wait3A_293] : memref<144x128xf32, #tpu.memory_space<vmem_shared>> -> memref<144x128xf32, #tpu.memory_space<vmem_shared>>
      tpu.wait_indirect_dma semaphore(%arg10 : memref<!tpu.dma_semaphore, #tpu.memory_space<semaphore_mem>>) src(%dma_wait3A_294 : memref<144x128xf32, #tpu.memory_space<vmem_shared>>) dst(%dma_wait3A_289 : memref<128x128xf32, #tpu.memory_space<vmem>>)
      %mul3A_295 = arith.constant 6 : i32
      %mul3A_296 = arith.muli %scan3A_220, %mul3A_295 : i32
      %add3A_297 = arith.constant 2 : i32
      %add3A_298 = arith.addi %mul3A_296, %add3A_297 : i32
      %mul3A_299 = arith.constant 128 : i32
      %mul3A_300 = arith.muli %add3A_298, %mul3A_299 : i32
      %add3A_301 = arith.addi %mul3A_2, %mul3A_300 : i32
      %dma_start3A_302 = arith.constant 2 : i32
      %dma_start3A_303 = arith.constant 0 : i32
      %dma_start3A_304 = arith.constant 0 : i32
      %dma_start3A_305 = tpu.memref_slice %arg6[%dma_start3A_302, %dma_start3A_303, %dma_start3A_304] : memref<6x128x128xf32, #tpu.memory_space<vmem>> -> memref<1x128x128xf32, #tpu.memory_space<vmem>>
      %dma_start3A_306 = tpu.memref_squeeze %dma_start3A_305 : memref<1x128x128xf32, #tpu.memory_space<vmem>> -> memref<128x128xf32, #tpu.memory_space<vmem>>
      %dma_start3A_307 = arith.constant 0 : i32
      %dma_start3A_308 = tpu.memref_slice %arg4[%add3A_301, %dma_start3A_307] : memref<320000x128xf32, #tpu.memory_space<hbm>> -> memref<128x128xf32, #tpu.memory_space<hbm>>
      %dma_start3A_309 = arith.constant 0 : i32
      %dma_start3A_310 = tpu.memref_slice %arg4[%add3A_301, %dma_start3A_309] : memref<320000x128xf32, #tpu.memory_space<hbm>> -> memref<128x128xf32, #tpu.memory_space<hbm>>
      %dma_start3A_311 = arith.constant 0 : i32
      %dma_start3A_312 = arith.constant 0 : i32
      %dma_start3A_313 = tpu.memref_slice %arg6[%dma_start3A_302, %dma_start3A_311, %dma_start3A_312] : memref<6x128x128xf32, #tpu.memory_space<vmem>> -> memref<1x128x128xf32, #tpu.memory_space<vmem>>
      %dma_start3A_314 = tpu.memref_squeeze %dma_start3A_313 : memref<1x128x128xf32, #tpu.memory_space<vmem>> -> memref<128x128xf32, #tpu.memory_space<vmem>>
      tpu.enqueue_dma source(%dma_start3A_314 : memref<128x128xf32, #tpu.memory_space<vmem>>) target(%dma_start3A_310 : memref<128x128xf32, #tpu.memory_space<hbm>>) target_semaphore(%arg16 : memref<!tpu.dma_semaphore, #tpu.memory_space<semaphore_mem>>)
      %dma_wait3A_315 = arith.constant 3 : i32
      %dma_wait3A_316 = arith.constant 0 : i32
      %dma_wait3A_317 = arith.constant 0 : i32
      %dma_wait3A_318 = tpu.memref_slice %arg6[%dma_wait3A_315, %dma_wait3A_316, %dma_wait3A_317] : memref<6x128x128xf32, #tpu.memory_space<vmem>> -> memref<1x128x128xf32, #tpu.memory_space<vmem>>
      %dma_wait3A_319 = tpu.memref_squeeze %dma_wait3A_318 : memref<1x128x128xf32, #tpu.memory_space<vmem>> -> memref<128x128xf32, #tpu.memory_space<vmem>>
      %dma_wait3A_320 = arith.constant 0 : i32
      %dma_wait3A_321 = tpu.memref_slice %arg5[%dma_wait3A_320] : memref<10000xi32, #tpu.memory_space<vmem>> -> memref<128xi32, #tpu.memory_space<vmem>>
      %dma_wait3A_322 = arith.constant 0 : i32
      %dma_wait3A_323 = arith.constant 0 : i32
      %dma_wait3A_324 = tpu.memref_slice %arg7[%dma_wait3A_322, %dma_wait3A_323] : memref<144x128xf32, #tpu.memory_space<vmem_shared>> -> memref<144x128xf32, #tpu.memory_space<vmem_shared>>
      tpu.wait_indirect_dma semaphore(%arg11 : memref<!tpu.dma_semaphore, #tpu.memory_space<semaphore_mem>>) src(%dma_wait3A_324 : memref<144x128xf32, #tpu.memory_space<vmem_shared>>) dst(%dma_wait3A_319 : memref<128x128xf32, #tpu.memory_space<vmem>>)
      %mul3A_325 = arith.constant 6 : i32
      %mul3A_326 = arith.muli %scan3A_220, %mul3A_325 : i32
      %add3A_327 = arith.constant 3 : i32
      %add3A_328 = arith.addi %mul3A_326, %add3A_327 : i32
      %mul3A_329 = arith.constant 128 : i32
      %mul3A_330 = arith.muli %add3A_328, %mul3A_329 : i32
      %add3A_331 = arith.addi %mul3A_2, %mul3A_330 : i32
      %dma_start3A_332 = arith.constant 3 : i32
      %dma_start3A_333 = arith.constant 0 : i32
      %dma_start3A_334 = arith.constant 0 : i32
      %dma_start3A_335 = tpu.memref_slice %arg6[%dma_start3A_332, %dma_start3A_333, %dma_start3A_334] : memref<6x128x128xf32, #tpu.memory_space<vmem>> -> memref<1x128x128xf32, #tpu.memory_space<vmem>>
      %dma_start3A_336 = tpu.memref_squeeze %dma_start3A_335 : memref<1x128x128xf32, #tpu.memory_space<vmem>> -> memref<128x128xf32, #tpu.memory_space<vmem>>
      %dma_start3A_337 = arith.constant 0 : i32
      %dma_start3A_338 = tpu.memref_slice %arg4[%add3A_331, %dma_start3A_337] : memref<320000x128xf32, #tpu.memory_space<hbm>> -> memref<128x128xf32, #tpu.memory_space<hbm>>
      %dma_start3A_339 = arith.constant 0 : i32
      %dma_start3A_340 = tpu.memref_slice %arg4[%add3A_331, %dma_start3A_339] : memref<320000x128xf32, #tpu.memory_space<hbm>> -> memref<128x128xf32, #tpu.memory_space<hbm>>
      %dma_start3A_341 = arith.constant 0 : i32
      %dma_start3A_342 = arith.constant 0 : i32
      %dma_start3A_343 = tpu.memref_slice %arg6[%dma_start3A_332, %dma_start3A_341, %dma_start3A_342] : memref<6x128x128xf32, #tpu.memory_space<vmem>> -> memref<1x128x128xf32, #tpu.memory_space<vmem>>
      %dma_start3A_344 = tpu.memref_squeeze %dma_start3A_343 : memref<1x128x128xf32, #tpu.memory_space<vmem>> -> memref<128x128xf32, #tpu.memory_space<vmem>>
      tpu.enqueue_dma source(%dma_start3A_344 : memref<128x128xf32, #tpu.memory_space<vmem>>) target(%dma_start3A_340 : memref<128x128xf32, #tpu.memory_space<hbm>>) target_semaphore(%arg17 : memref<!tpu.dma_semaphore, #tpu.memory_space<semaphore_mem>>)
      %dma_wait3A_345 = arith.constant 4 : i32
      %dma_wait3A_346 = arith.constant 0 : i32
      %dma_wait3A_347 = arith.constant 0 : i32
      %dma_wait3A_348 = tpu.memref_slice %arg6[%dma_wait3A_345, %dma_wait3A_346, %dma_wait3A_347] : memref<6x128x128xf32, #tpu.memory_space<vmem>> -> memref<1x128x128xf32, #tpu.memory_space<vmem>>
      %dma_wait3A_349 = tpu.memref_squeeze %dma_wait3A_348 : memref<1x128x128xf32, #tpu.memory_space<vmem>> -> memref<128x128xf32, #tpu.memory_space<vmem>>
      %dma_wait3A_350 = arith.constant 0 : i32
      %dma_wait3A_351 = tpu.memref_slice %arg5[%dma_wait3A_350] : memref<10000xi32, #tpu.memory_space<vmem>> -> memref<128xi32, #tpu.memory_space<vmem>>
      %dma_wait3A_352 = arith.constant 0 : i32
      %dma_wait3A_353 = arith.constant 0 : i32
      %dma_wait3A_354 = tpu.memref_slice %arg7[%dma_wait3A_352, %dma_wait3A_353] : memref<144x128xf32, #tpu.memory_space<vmem_shared>> -> memref<144x128xf32, #tpu.memory_space<vmem_shared>>
      tpu.wait_indirect_dma semaphore(%arg12 : memref<!tpu.dma_semaphore, #tpu.memory_space<semaphore_mem>>) src(%dma_wait3A_354 : memref<144x128xf32, #tpu.memory_space<vmem_shared>>) dst(%dma_wait3A_349 : memref<128x128xf32, #tpu.memory_space<vmem>>)
      %mul3A_355 = arith.constant 6 : i32
      %mul3A_356 = arith.muli %scan3A_220, %mul3A_355 : i32
      %add3A_357 = arith.constant 4 : i32
      %add3A_358 = arith.addi %mul3A_356, %add3A_357 : i32
      %mul3A_359 = arith.constant 128 : i32
      %mul3A_360 = arith.muli %add3A_358, %mul3A_359 : i32
      %add3A_361 = arith.addi %mul3A_2, %mul3A_360 : i32
      %dma_start3A_362 = arith.constant 4 : i32
      %dma_start3A_363 = arith.constant 0 : i32
      %dma_start3A_364 = arith.constant 0 : i32
      %dma_start3A_365 = tpu.memref_slice %arg6[%dma_start3A_362, %dma_start3A_363, %dma_start3A_364] : memref<6x128x128xf32, #tpu.memory_space<vmem>> -> memref<1x128x128xf32, #tpu.memory_space<vmem>>
      %dma_start3A_366 = tpu.memref_squeeze %dma_start3A_365 : memref<1x128x128xf32, #tpu.memory_space<vmem>> -> memref<128x128xf32, #tpu.memory_space<vmem>>
      %dma_start3A_367 = arith.constant 0 : i32
      %dma_start3A_368 = tpu.memref_slice %arg4[%add3A_361, %dma_start3A_367] : memref<320000x128xf32, #tpu.memory_space<hbm>> -> memref<128x128xf32, #tpu.memory_space<hbm>>
      %dma_start3A_369 = arith.constant 0 : i32
      %dma_start3A_370 = tpu.memref_slice %arg4[%add3A_361, %dma_start3A_369] : memref<320000x128xf32, #tpu.memory_space<hbm>> -> memref<128x128xf32, #tpu.memory_space<hbm>>
      %dma_start3A_371 = arith.constant 0 : i32
      %dma_start3A_372 = arith.constant 0 : i32
      %dma_start3A_373 = tpu.memref_slice %arg6[%dma_start3A_362, %dma_start3A_371, %dma_start3A_372] : memref<6x128x128xf32, #tpu.memory_space<vmem>> -> memref<1x128x128xf32, #tpu.memory_space<vmem>>
      %dma_start3A_374 = tpu.memref_squeeze %dma_start3A_373 : memref<1x128x128xf32, #tpu.memory_space<vmem>> -> memref<128x128xf32, #tpu.memory_space<vmem>>
      tpu.enqueue_dma source(%dma_start3A_374 : memref<128x128xf32, #tpu.memory_space<vmem>>) target(%dma_start3A_370 : memref<128x128xf32, #tpu.memory_space<hbm>>) target_semaphore(%arg18 : memref<!tpu.dma_semaphore, #tpu.memory_space<semaphore_mem>>)
      %dma_wait3A_375 = arith.constant 5 : i32
      %dma_wait3A_376 = arith.constant 0 : i32
      %dma_wait3A_377 = arith.constant 0 : i32
      %dma_wait3A_378 = tpu.memref_slice %arg6[%dma_wait3A_375, %dma_wait3A_376, %dma_wait3A_377] : memref<6x128x128xf32, #tpu.memory_space<vmem>> -> memref<1x128x128xf32, #tpu.memory_space<vmem>>
      %dma_wait3A_379 = tpu.memref_squeeze %dma_wait3A_378 : memref<1x128x128xf32, #tpu.memory_space<vmem>> -> memref<128x128xf32, #tpu.memory_space<vmem>>
      %dma_wait3A_380 = arith.constant 0 : i32
      %dma_wait3A_381 = tpu.memref_slice %arg5[%dma_wait3A_380] : memref<10000xi32, #tpu.memory_space<vmem>> -> memref<128xi32, #tpu.memory_space<vmem>>
      %dma_wait3A_382 = arith.constant 0 : i32
      %dma_wait3A_383 = arith.constant 0 : i32
      %dma_wait3A_384 = tpu.memref_slice %arg7[%dma_wait3A_382, %dma_wait3A_383] : memref<144x128xf32, #tpu.memory_space<vmem_shared>> -> memref<144x128xf32, #tpu.memory_space<vmem_shared>>
      tpu.wait_indirect_dma semaphore(%arg13 : memref<!tpu.dma_semaphore, #tpu.memory_space<semaphore_mem>>) src(%dma_wait3A_384 : memref<144x128xf32, #tpu.memory_space<vmem_shared>>) dst(%dma_wait3A_379 : memref<128x128xf32, #tpu.memory_space<vmem>>)
      %mul3A_385 = arith.constant 6 : i32
      %mul3A_386 = arith.muli %scan3A_220, %mul3A_385 : i32
      %add3A_387 = arith.constant 5 : i32
      %add3A_388 = arith.addi %mul3A_386, %add3A_387 : i32
      %mul3A_389 = arith.constant 128 : i32
      %mul3A_390 = arith.muli %add3A_388, %mul3A_389 : i32
      %add3A_391 = arith.addi %mul3A_2, %mul3A_390 : i32
      %dma_start3A_392 = arith.constant 5 : i32
      %dma_start3A_393 = arith.constant 0 : i32
      %dma_start3A_394 = arith.constant 0 : i32
      %dma_start3A_395 = tpu.memref_slice %arg6[%dma_start3A_392, %dma_start3A_393, %dma_start3A_394] : memref<6x128x128xf32, #tpu.memory_space<vmem>> -> memref<1x128x128xf32, #tpu.memory_space<vmem>>
      %dma_start3A_396 = tpu.memref_squeeze %dma_start3A_395 : memref<1x128x128xf32, #tpu.memory_space<vmem>> -> memref<128x128xf32, #tpu.memory_space<vmem>>
      %dma_start3A_397 = arith.constant 0 : i32
      %dma_start3A_398 = tpu.memref_slice %arg4[%add3A_391, %dma_start3A_397] : memref<320000x128xf32, #tpu.memory_space<hbm>> -> memref<128x128xf32, #tpu.memory_space<hbm>>
      %dma_start3A_399 = arith.constant 0 : i32
      %dma_start3A_400 = tpu.memref_slice %arg4[%add3A_391, %dma_start3A_399] : memref<320000x128xf32, #tpu.memory_space<hbm>> -> memref<128x128xf32, #tpu.memory_space<hbm>>
      %dma_start3A_401 = arith.constant 0 : i32
      %dma_start3A_402 = arith.constant 0 : i32
      %dma_start3A_403 = tpu.memref_slice %arg6[%dma_start3A_392, %dma_start3A_401, %dma_start3A_402] : memref<6x128x128xf32, #tpu.memory_space<vmem>> -> memref<1x128x128xf32, #tpu.memory_space<vmem>>
      %dma_start3A_404 = tpu.memref_squeeze %dma_start3A_403 : memref<1x128x128xf32, #tpu.memory_space<vmem>> -> memref<128x128xf32, #tpu.memory_space<vmem>>
      tpu.enqueue_dma source(%dma_start3A_404 : memref<128x128xf32, #tpu.memory_space<vmem>>) target(%dma_start3A_400 : memref<128x128xf32, #tpu.memory_space<hbm>>) target_semaphore(%arg19 : memref<!tpu.dma_semaphore, #tpu.memory_space<semaphore_mem>>)
      %add3A_405 = arith.constant 1 : i32
      %add3A_406 = arith.addi %scan3A_220, %add3A_405 : i32
      %lt3A_407 = arith.constant 13 : i32
      %lt3A_408 = arith.cmpi slt, %add3A_406, %lt3A_407 : i32
      %convert_element_type3A_409 = arith.extui %lt3A_408 : i1 to i32
      %cond3A_410 = arith.constant 0 : i32
      %cond3A_411 = arith.cmpi ne, %convert_element_type3A_409, %cond3A_410 : i32
      scf.if %cond3A_411 {
        %dma_wait3A_412 = arith.constant 0 : i32
        %dma_wait3A_413 = arith.constant 0 : i32
        %dma_wait3A_414 = arith.constant 0 : i32
        %dma_wait3A_415 = tpu.memref_slice %arg6[%dma_wait3A_412, %dma_wait3A_413, %dma_wait3A_414] : memref<6x128x128xf32, #tpu.memory_space<vmem>> -> memref<1x128x128xf32, #tpu.memory_space<vmem>>
        %dma_wait3A_416 = tpu.memref_squeeze %dma_wait3A_415 : memref<1x128x128xf32, #tpu.memory_space<vmem>> -> memref<128x128xf32, #tpu.memory_space<vmem>>
        %dma_wait3A_417 = arith.constant 0 : i32
        %dma_wait3A_418 = tpu.memref_slice %arg4[%mul3A_2, %dma_wait3A_417] : memref<320000x128xf32, #tpu.memory_space<hbm>> -> memref<128x128xf32, #tpu.memory_space<hbm>>
        %dma_wait3A_419 = arith.constant 0 : i32
        %dma_wait3A_420 = tpu.memref_slice %arg4[%mul3A_2, %dma_wait3A_419] : memref<320000x128xf32, #tpu.memory_space<hbm>> -> memref<128x128xf32, #tpu.memory_space<hbm>>
        %dma_wait3A_421 = arith.constant 0 : i32
        %dma_wait3A_422 = arith.constant 0 : i32
        %dma_wait3A_423 = tpu.memref_slice %arg6[%dma_wait3A_412, %dma_wait3A_421, %dma_wait3A_422] : memref<6x128x128xf32, #tpu.memory_space<vmem>> -> memref<1x128x128xf32, #tpu.memory_space<vmem>>
        %dma_wait3A_424 = tpu.memref_squeeze %dma_wait3A_423 : memref<1x128x128xf32, #tpu.memory_space<vmem>> -> memref<128x128xf32, #tpu.memory_space<vmem>>
        tpu.wait_dma2 semaphore(%arg14 : memref<!tpu.dma_semaphore, #tpu.memory_space<semaphore_mem>>) src(%dma_wait3A_424 : memref<128x128xf32, #tpu.memory_space<vmem>>) dst(%dma_wait3A_420 : memref<128x128xf32, #tpu.memory_space<hbm>>)
        %add3A_425 = arith.constant 1 : i32
        %add3A_426 = arith.addi %scan3A_220, %add3A_425 : i32
        %mul3A_427 = arith.constant 6 : i32
        %mul3A_428 = arith.muli %add3A_426, %mul3A_427 : i32
        %add3A_429 = arith.constant 0 : i32
        %add3A_430 = arith.addi %mul3A_428, %add3A_429 : i32
        %mul3A_431 = arith.constant 128 : i32
        %mul3A_432 = arith.muli %add3A_430, %mul3A_431 : i32
        %dma_start3A_433 = arith.constant 0 : i32
        %dma_start3A_434 = arith.constant 0 : i32
        %dma_start3A_435 = arith.constant 0 : i32
        %dma_start3A_436 = tpu.memref_slice %arg6[%dma_start3A_433, %dma_start3A_434, %dma_start3A_435] : memref<6x128x128xf32, #tpu.memory_space<vmem>> -> memref<1x128x128xf32, #tpu.memory_space<vmem>>
        %dma_start3A_437 = tpu.memref_squeeze %dma_start3A_436 : memref<1x128x128xf32, #tpu.memory_space<vmem>> -> memref<128x128xf32, #tpu.memory_space<vmem>>
        %dma_start3A_438 = tpu.memref_slice %arg5[%mul3A_432] : memref<10000xi32, #tpu.memory_space<vmem>> -> memref<128xi32, #tpu.memory_space<vmem>>
        %dma_start3A_439 = arith.constant 0 : i32
        %dma_start3A_440 = arith.constant 0 : i32
        %dma_start3A_441 = tpu.memref_slice %arg7[%dma_start3A_439, %dma_start3A_440] : memref<144x128xf32, #tpu.memory_space<vmem_shared>> -> memref<144x128xf32, #tpu.memory_space<vmem_shared>>
        tpu.enqueue_indirect_dma source(%dma_start3A_441 : memref<144x128xf32, #tpu.memory_space<vmem_shared>>) target(%dma_start3A_437 : memref<128x128xf32, #tpu.memory_space<vmem>>) offsets(%dma_start3A_438 : memref<128xi32, #tpu.memory_space<vmem>>) semaphore(%arg8 : memref<!tpu.dma_semaphore, #tpu.memory_space<semaphore_mem>>)
        %dma_wait3A_442 = arith.constant 1 : i32
        %dma_wait3A_443 = arith.constant 0 : i32
        %dma_wait3A_444 = arith.constant 0 : i32
        %dma_wait3A_445 = tpu.memref_slice %arg6[%dma_wait3A_442, %dma_wait3A_443, %dma_wait3A_444] : memref<6x128x128xf32, #tpu.memory_space<vmem>> -> memref<1x128x128xf32, #tpu.memory_space<vmem>>
        %dma_wait3A_446 = tpu.memref_squeeze %dma_wait3A_445 : memref<1x128x128xf32, #tpu.memory_space<vmem>> -> memref<128x128xf32, #tpu.memory_space<vmem>>
        %dma_wait3A_447 = arith.constant 0 : i32
        %dma_wait3A_448 = tpu.memref_slice %arg4[%mul3A_2, %dma_wait3A_447] : memref<320000x128xf32, #tpu.memory_space<hbm>> -> memref<128x128xf32, #tpu.memory_space<hbm>>
        %dma_wait3A_449 = arith.constant 0 : i32
        %dma_wait3A_450 = tpu.memref_slice %arg4[%mul3A_2, %dma_wait3A_449] : memref<320000x128xf32, #tpu.memory_space<hbm>> -> memref<128x128xf32, #tpu.memory_space<hbm>>
        %dma_wait3A_451 = arith.constant 0 : i32
        %dma_wait3A_452 = arith.constant 0 : i32
        %dma_wait3A_453 = tpu.memref_slice %arg6[%dma_wait3A_442, %dma_wait3A_451, %dma_wait3A_452] : memref<6x128x128xf32, #tpu.memory_space<vmem>> -> memref<1x128x128xf32, #tpu.memory_space<vmem>>
        %dma_wait3A_454 = tpu.memref_squeeze %dma_wait3A_453 : memref<1x128x128xf32, #tpu.memory_space<vmem>> -> memref<128x128xf32, #tpu.memory_space<vmem>>
        tpu.wait_dma2 semaphore(%arg15 : memref<!tpu.dma_semaphore, #tpu.memory_space<semaphore_mem>>) src(%dma_wait3A_454 : memref<128x128xf32, #tpu.memory_space<vmem>>) dst(%dma_wait3A_450 : memref<128x128xf32, #tpu.memory_space<hbm>>)
        %add3A_455 = arith.constant 1 : i32
        %add3A_456 = arith.addi %scan3A_220, %add3A_455 : i32
        %mul3A_457 = arith.constant 6 : i32
        %mul3A_458 = arith.muli %add3A_456, %mul3A_457 : i32
        %add3A_459 = arith.constant 1 : i32
        %add3A_460 = arith.addi %mul3A_458, %add3A_459 : i32
        %mul3A_461 = arith.constant 128 : i32
        %mul3A_462 = arith.muli %add3A_460, %mul3A_461 : i32
        %dma_start3A_463 = arith.constant 1 : i32
        %dma_start3A_464 = arith.constant 0 : i32
        %dma_start3A_465 = arith.constant 0 : i32
        %dma_start3A_466 = tpu.memref_slice %arg6[%dma_start3A_463, %dma_start3A_464, %dma_start3A_465] : memref<6x128x128xf32, #tpu.memory_space<vmem>> -> memref<1x128x128xf32, #tpu.memory_space<vmem>>
        %dma_start3A_467 = tpu.memref_squeeze %dma_start3A_466 : memref<1x128x128xf32, #tpu.memory_space<vmem>> -> memref<128x128xf32, #tpu.memory_space<vmem>>
        %dma_start3A_468 = tpu.memref_slice %arg5[%mul3A_462] : memref<10000xi32, #tpu.memory_space<vmem>> -> memref<128xi32, #tpu.memory_space<vmem>>
        %dma_start3A_469 = arith.constant 0 : i32
        %dma_start3A_470 = arith.constant 0 : i32
        %dma_start3A_471 = tpu.memref_slice %arg7[%dma_start3A_469, %dma_start3A_470] : memref<144x128xf32, #tpu.memory_space<vmem_shared>> -> memref<144x128xf32, #tpu.memory_space<vmem_shared>>
        tpu.enqueue_indirect_dma source(%dma_start3A_471 : memref<144x128xf32, #tpu.memory_space<vmem_shared>>) target(%dma_start3A_467 : memref<128x128xf32, #tpu.memory_space<vmem>>) offsets(%dma_start3A_468 : memref<128xi32, #tpu.memory_space<vmem>>) semaphore(%arg9 : memref<!tpu.dma_semaphore, #tpu.memory_space<semaphore_mem>>)
        %dma_wait3A_472 = arith.constant 2 : i32
        %dma_wait3A_473 = arith.constant 0 : i32
        %dma_wait3A_474 = arith.constant 0 : i32
        %dma_wait3A_475 = tpu.memref_slice %arg6[%dma_wait3A_472, %dma_wait3A_473, %dma_wait3A_474] : memref<6x128x128xf32, #tpu.memory_space<vmem>> -> memref<1x128x128xf32, #tpu.memory_space<vmem>>
        %dma_wait3A_476 = tpu.memref_squeeze %dma_wait3A_475 : memref<1x128x128xf32, #tpu.memory_space<vmem>> -> memref<128x128xf32, #tpu.memory_space<vmem>>
        %dma_wait3A_477 = arith.constant 0 : i32
        %dma_wait3A_478 = tpu.memref_slice %arg4[%mul3A_2, %dma_wait3A_477] : memref<320000x128xf32, #tpu.memory_space<hbm>> -> memref<128x128xf32, #tpu.memory_space<hbm>>
        %dma_wait3A_479 = arith.constant 0 : i32
        %dma_wait3A_480 = tpu.memref_slice %arg4[%mul3A_2, %dma_wait3A_479] : memref<320000x128xf32, #tpu.memory_space<hbm>> -> memref<128x128xf32, #tpu.memory_space<hbm>>
        %dma_wait3A_481 = arith.constant 0 : i32
        %dma_wait3A_482 = arith.constant 0 : i32
        %dma_wait3A_483 = tpu.memref_slice %arg6[%dma_wait3A_472, %dma_wait3A_481, %dma_wait3A_482] : memref<6x128x128xf32, #tpu.memory_space<vmem>> -> memref<1x128x128xf32, #tpu.memory_space<vmem>>
        %dma_wait3A_484 = tpu.memref_squeeze %dma_wait3A_483 : memref<1x128x128xf32, #tpu.memory_space<vmem>> -> memref<128x128xf32, #tpu.memory_space<vmem>>
        tpu.wait_dma2 semaphore(%arg16 : memref<!tpu.dma_semaphore, #tpu.memory_space<semaphore_mem>>) src(%dma_wait3A_484 : memref<128x128xf32, #tpu.memory_space<vmem>>) dst(%dma_wait3A_480 : memref<128x128xf32, #tpu.memory_space<hbm>>)
        %add3A_485 = arith.constant 1 : i32
        %add3A_486 = arith.addi %scan3A_220, %add3A_485 : i32
        %mul3A_487 = arith.constant 6 : i32
        %mul3A_488 = arith.muli %add3A_486, %mul3A_487 : i32
        %add3A_489 = arith.constant 2 : i32
        %add3A_490 = arith.addi %mul3A_488, %add3A_489 : i32
        %mul3A_491 = arith.constant 128 : i32
        %mul3A_492 = arith.muli %add3A_490, %mul3A_491 : i32
        %dma_start3A_493 = arith.constant 2 : i32
        %dma_start3A_494 = arith.constant 0 : i32
        %dma_start3A_495 = arith.constant 0 : i32
        %dma_start3A_496 = tpu.memref_slice %arg6[%dma_start3A_493, %dma_start3A_494, %dma_start3A_495] : memref<6x128x128xf32, #tpu.memory_space<vmem>> -> memref<1x128x128xf32, #tpu.memory_space<vmem>>
        %dma_start3A_497 = tpu.memref_squeeze %dma_start3A_496 : memref<1x128x128xf32, #tpu.memory_space<vmem>> -> memref<128x128xf32, #tpu.memory_space<vmem>>
        %dma_start3A_498 = tpu.memref_slice %arg5[%mul3A_492] : memref<10000xi32, #tpu.memory_space<vmem>> -> memref<128xi32, #tpu.memory_space<vmem>>
        %dma_start3A_499 = arith.constant 0 : i32
        %dma_start3A_500 = arith.constant 0 : i32
        %dma_start3A_501 = tpu.memref_slice %arg7[%dma_start3A_499, %dma_start3A_500] : memref<144x128xf32, #tpu.memory_space<vmem_shared>> -> memref<144x128xf32, #tpu.memory_space<vmem_shared>>
        tpu.enqueue_indirect_dma source(%dma_start3A_501 : memref<144x128xf32, #tpu.memory_space<vmem_shared>>) target(%dma_start3A_497 : memref<128x128xf32, #tpu.memory_space<vmem>>) offsets(%dma_start3A_498 : memref<128xi32, #tpu.memory_space<vmem>>) semaphore(%arg10 : memref<!tpu.dma_semaphore, #tpu.memory_space<semaphore_mem>>)
        %dma_wait3A_502 = arith.constant 3 : i32
        %dma_wait3A_503 = arith.constant 0 : i32
        %dma_wait3A_504 = arith.constant 0 : i32
        %dma_wait3A_505 = tpu.memref_slice %arg6[%dma_wait3A_502, %dma_wait3A_503, %dma_wait3A_504] : memref<6x128x128xf32, #tpu.memory_space<vmem>> -> memref<1x128x128xf32, #tpu.memory_space<vmem>>
        %dma_wait3A_506 = tpu.memref_squeeze %dma_wait3A_505 : memref<1x128x128xf32, #tpu.memory_space<vmem>> -> memref<128x128xf32, #tpu.memory_space<vmem>>
        %dma_wait3A_507 = arith.constant 0 : i32
        %dma_wait3A_508 = tpu.memref_slice %arg4[%mul3A_2, %dma_wait3A_507] : memref<320000x128xf32, #tpu.memory_space<hbm>> -> memref<128x128xf32, #tpu.memory_space<hbm>>
        %dma_wait3A_509 = arith.constant 0 : i32
        %dma_wait3A_510 = tpu.memref_slice %arg4[%mul3A_2, %dma_wait3A_509] : memref<320000x128xf32, #tpu.memory_space<hbm>> -> memref<128x128xf32, #tpu.memory_space<hbm>>
        %dma_wait3A_511 = arith.constant 0 : i32
        %dma_wait3A_512 = arith.constant 0 : i32
        %dma_wait3A_513 = tpu.memref_slice %arg6[%dma_wait3A_502, %dma_wait3A_511, %dma_wait3A_512] : memref<6x128x128xf32, #tpu.memory_space<vmem>> -> memref<1x128x128xf32, #tpu.memory_space<vmem>>
        %dma_wait3A_514 = tpu.memref_squeeze %dma_wait3A_513 : memref<1x128x128xf32, #tpu.memory_space<vmem>> -> memref<128x128xf32, #tpu.memory_space<vmem>>
        tpu.wait_dma2 semaphore(%arg17 : memref<!tpu.dma_semaphore, #tpu.memory_space<semaphore_mem>>) src(%dma_wait3A_514 : memref<128x128xf32, #tpu.memory_space<vmem>>) dst(%dma_wait3A_510 : memref<128x128xf32, #tpu.memory_space<hbm>>)
        %add3A_515 = arith.constant 1 : i32
        %add3A_516 = arith.addi %scan3A_220, %add3A_515 : i32
        %mul3A_517 = arith.constant 6 : i32
        %mul3A_518 = arith.muli %add3A_516, %mul3A_517 : i32
        %add3A_519 = arith.constant 3 : i32
        %add3A_520 = arith.addi %mul3A_518, %add3A_519 : i32
        %mul3A_521 = arith.constant 128 : i32
        %mul3A_522 = arith.muli %add3A_520, %mul3A_521 : i32
        %dma_start3A_523 = arith.constant 3 : i32
        %dma_start3A_524 = arith.constant 0 : i32
        %dma_start3A_525 = arith.constant 0 : i32
        %dma_start3A_526 = tpu.memref_slice %arg6[%dma_start3A_523, %dma_start3A_524, %dma_start3A_525] : memref<6x128x128xf32, #tpu.memory_space<vmem>> -> memref<1x128x128xf32, #tpu.memory_space<vmem>>
        %dma_start3A_527 = tpu.memref_squeeze %dma_start3A_526 : memref<1x128x128xf32, #tpu.memory_space<vmem>> -> memref<128x128xf32, #tpu.memory_space<vmem>>
        %dma_start3A_528 = tpu.memref_slice %arg5[%mul3A_522] : memref<10000xi32, #tpu.memory_space<vmem>> -> memref<128xi32, #tpu.memory_space<vmem>>
        %dma_start3A_529 = arith.constant 0 : i32
        %dma_start3A_530 = arith.constant 0 : i32
        %dma_start3A_531 = tpu.memref_slice %arg7[%dma_start3A_529, %dma_start3A_530] : memref<144x128xf32, #tpu.memory_space<vmem_shared>> -> memref<144x128xf32, #tpu.memory_space<vmem_shared>>
        tpu.enqueue_indirect_dma source(%dma_start3A_531 : memref<144x128xf32, #tpu.memory_space<vmem_shared>>) target(%dma_start3A_527 : memref<128x128xf32, #tpu.memory_space<vmem>>) offsets(%dma_start3A_528 : memref<128xi32, #tpu.memory_space<vmem>>) semaphore(%arg11 : memref<!tpu.dma_semaphore, #tpu.memory_space<semaphore_mem>>)
        %dma_wait3A_532 = arith.constant 4 : i32
        %dma_wait3A_533 = arith.constant 0 : i32
        %dma_wait3A_534 = arith.constant 0 : i32
        %dma_wait3A_535 = tpu.memref_slice %arg6[%dma_wait3A_532, %dma_wait3A_533, %dma_wait3A_534] : memref<6x128x128xf32, #tpu.memory_space<vmem>> -> memref<1x128x128xf32, #tpu.memory_space<vmem>>
        %dma_wait3A_536 = tpu.memref_squeeze %dma_wait3A_535 : memref<1x128x128xf32, #tpu.memory_space<vmem>> -> memref<128x128xf32, #tpu.memory_space<vmem>>
        %dma_wait3A_537 = arith.constant 0 : i32
        %dma_wait3A_538 = tpu.memref_slice %arg4[%mul3A_2, %dma_wait3A_537] : memref<320000x128xf32, #tpu.memory_space<hbm>> -> memref<128x128xf32, #tpu.memory_space<hbm>>
        %dma_wait3A_539 = arith.constant 0 : i32
        %dma_wait3A_540 = tpu.memref_slice %arg4[%mul3A_2, %dma_wait3A_539] : memref<320000x128xf32, #tpu.memory_space<hbm>> -> memref<128x128xf32, #tpu.memory_space<hbm>>
        %dma_wait3A_541 = arith.constant 0 : i32
        %dma_wait3A_542 = arith.constant 0 : i32
        %dma_wait3A_543 = tpu.memref_slice %arg6[%dma_wait3A_532, %dma_wait3A_541, %dma_wait3A_542] : memref<6x128x128xf32, #tpu.memory_space<vmem>> -> memref<1x128x128xf32, #tpu.memory_space<vmem>>
        %dma_wait3A_544 = tpu.memref_squeeze %dma_wait3A_543 : memref<1x128x128xf32, #tpu.memory_space<vmem>> -> memref<128x128xf32, #tpu.memory_space<vmem>>
        tpu.wait_dma2 semaphore(%arg18 : memref<!tpu.dma_semaphore, #tpu.memory_space<semaphore_mem>>) src(%dma_wait3A_544 : memref<128x128xf32, #tpu.memory_space<vmem>>) dst(%dma_wait3A_540 : memref<128x128xf32, #tpu.memory_space<hbm>>)
        %add3A_545 = arith.constant 1 : i32
        %add3A_546 = arith.addi %scan3A_220, %add3A_545 : i32
        %mul3A_547 = arith.constant 6 : i32
        %mul3A_548 = arith.muli %add3A_546, %mul3A_547 : i32
        %add3A_549 = arith.constant 4 : i32
        %add3A_550 = arith.addi %mul3A_548, %add3A_549 : i32
        %mul3A_551 = arith.constant 128 : i32
        %mul3A_552 = arith.muli %add3A_550, %mul3A_551 : i32
        %dma_start3A_553 = arith.constant 4 : i32
        %dma_start3A_554 = arith.constant 0 : i32
        %dma_start3A_555 = arith.constant 0 : i32
        %dma_start3A_556 = tpu.memref_slice %arg6[%dma_start3A_553, %dma_start3A_554, %dma_start3A_555] : memref<6x128x128xf32, #tpu.memory_space<vmem>> -> memref<1x128x128xf32, #tpu.memory_space<vmem>>
        %dma_start3A_557 = tpu.memref_squeeze %dma_start3A_556 : memref<1x128x128xf32, #tpu.memory_space<vmem>> -> memref<128x128xf32, #tpu.memory_space<vmem>>
        %dma_start3A_558 = tpu.memref_slice %arg5[%mul3A_552] : memref<10000xi32, #tpu.memory_space<vmem>> -> memref<128xi32, #tpu.memory_space<vmem>>
        %dma_start3A_559 = arith.constant 0 : i32
        %dma_start3A_560 = arith.constant 0 : i32
        %dma_start3A_561 = tpu.memref_slice %arg7[%dma_start3A_559, %dma_start3A_560] : memref<144x128xf32, #tpu.memory_space<vmem_shared>> -> memref<144x128xf32, #tpu.memory_space<vmem_shared>>
        tpu.enqueue_indirect_dma source(%dma_start3A_561 : memref<144x128xf32, #tpu.memory_space<vmem_shared>>) target(%dma_start3A_557 : memref<128x128xf32, #tpu.memory_space<vmem>>) offsets(%dma_start3A_558 : memref<128xi32, #tpu.memory_space<vmem>>) semaphore(%arg12 : memref<!tpu.dma_semaphore, #tpu.memory_space<semaphore_mem>>)
        %dma_wait3A_562 = arith.constant 5 : i32
        %dma_wait3A_563 = arith.constant 0 : i32
        %dma_wait3A_564 = arith.constant 0 : i32
        %dma_wait3A_565 = tpu.memref_slice %arg6[%dma_wait3A_562, %dma_wait3A_563, %dma_wait3A_564] : memref<6x128x128xf32, #tpu.memory_space<vmem>> -> memref<1x128x128xf32, #tpu.memory_space<vmem>>
        %dma_wait3A_566 = tpu.memref_squeeze %dma_wait3A_565 : memref<1x128x128xf32, #tpu.memory_space<vmem>> -> memref<128x128xf32, #tpu.memory_space<vmem>>
        %dma_wait3A_567 = arith.constant 0 : i32
        %dma_wait3A_568 = tpu.memref_slice %arg4[%mul3A_2, %dma_wait3A_567] : memref<320000x128xf32, #tpu.memory_space<hbm>> -> memref<128x128xf32, #tpu.memory_space<hbm>>
        %dma_wait3A_569 = arith.constant 0 : i32
        %dma_wait3A_570 = tpu.memref_slice %arg4[%mul3A_2, %dma_wait3A_569] : memref<320000x128xf32, #tpu.memory_space<hbm>> -> memref<128x128xf32, #tpu.memory_space<hbm>>
        %dma_wait3A_571 = arith.constant 0 : i32
        %dma_wait3A_572 = arith.constant 0 : i32
        %dma_wait3A_573 = tpu.memref_slice %arg6[%dma_wait3A_562, %dma_wait3A_571, %dma_wait3A_572] : memref<6x128x128xf32, #tpu.memory_space<vmem>> -> memref<1x128x128xf32, #tpu.memory_space<vmem>>
        %dma_wait3A_574 = tpu.memref_squeeze %dma_wait3A_573 : memref<1x128x128xf32, #tpu.memory_space<vmem>> -> memref<128x128xf32, #tpu.memory_space<vmem>>
        tpu.wait_dma2 semaphore(%arg19 : memref<!tpu.dma_semaphore, #tpu.memory_space<semaphore_mem>>) src(%dma_wait3A_574 : memref<128x128xf32, #tpu.memory_space<vmem>>) dst(%dma_wait3A_570 : memref<128x128xf32, #tpu.memory_space<hbm>>)
        %add3A_575 = arith.constant 1 : i32
        %add3A_576 = arith.addi %scan3A_220, %add3A_575 : i32
        %mul3A_577 = arith.constant 6 : i32
        %mul3A_578 = arith.muli %add3A_576, %mul3A_577 : i32
        %add3A_579 = arith.constant 5 : i32
        %add3A_580 = arith.addi %mul3A_578, %add3A_579 : i32
        %mul3A_581 = arith.constant 128 : i32
        %mul3A_582 = arith.muli %add3A_580, %mul3A_581 : i32
        %dma_start3A_583 = arith.constant 5 : i32
        %dma_start3A_584 = arith.constant 0 : i32
        %dma_start3A_585 = arith.constant 0 : i32
        %dma_start3A_586 = tpu.memref_slice %arg6[%dma_start3A_583, %dma_start3A_584, %dma_start3A_585] : memref<6x128x128xf32, #tpu.memory_space<vmem>> -> memref<1x128x128xf32, #tpu.memory_space<vmem>>
        %dma_start3A_587 = tpu.memref_squeeze %dma_start3A_586 : memref<1x128x128xf32, #tpu.memory_space<vmem>> -> memref<128x128xf32, #tpu.memory_space<vmem>>
        %dma_start3A_588 = tpu.memref_slice %arg5[%mul3A_582] : memref<10000xi32, #tpu.memory_space<vmem>> -> memref<128xi32, #tpu.memory_space<vmem>>
        %dma_start3A_589 = arith.constant 0 : i32
        %dma_start3A_590 = arith.constant 0 : i32
        %dma_start3A_591 = tpu.memref_slice %arg7[%dma_start3A_589, %dma_start3A_590] : memref<144x128xf32, #tpu.memory_space<vmem_shared>> -> memref<144x128xf32, #tpu.memory_space<vmem_shared>>
        tpu.enqueue_indirect_dma source(%dma_start3A_591 : memref<144x128xf32, #tpu.memory_space<vmem_shared>>) target(%dma_start3A_587 : memref<128x128xf32, #tpu.memory_space<vmem>>) offsets(%dma_start3A_588 : memref<128xi32, #tpu.memory_space<vmem>>) semaphore(%arg13 : memref<!tpu.dma_semaphore, #tpu.memory_space<semaphore_mem>>)
      } else {
      }
    }
    %scan3A_106 = arith.constant 13 : i32
    %dma_wait3A = arith.constant 0 : i32
    %dma_wait3A_107 = arith.constant 0 : i32
    %dma_wait3A_108 = arith.constant 0 : i32
    %dma_wait3A_109 = tpu.memref_slice %arg6[%dma_wait3A, %dma_wait3A_107, %dma_wait3A_108] : memref<6x128x128xf32, #tpu.memory_space<vmem>> -> memref<1x128x128xf32, #tpu.memory_space<vmem>>
    %dma_wait3A_110 = tpu.memref_squeeze %dma_wait3A_109 : memref<1x128x128xf32, #tpu.memory_space<vmem>> -> memref<128x128xf32, #tpu.memory_space<vmem>>
    %dma_wait3A_111 = arith.constant 0 : i32
    %dma_wait3A_112 = tpu.memref_slice %arg4[%mul3A_2, %dma_wait3A_111] : memref<320000x128xf32, #tpu.memory_space<hbm>> -> memref<128x128xf32, #tpu.memory_space<hbm>>
    %dma_wait3A_113 = arith.constant 0 : i32
    %dma_wait3A_114 = tpu.memref_slice %arg4[%mul3A_2, %dma_wait3A_113] : memref<320000x128xf32, #tpu.memory_space<hbm>> -> memref<128x128xf32, #tpu.memory_space<hbm>>
    %dma_wait3A_115 = arith.constant 0 : i32
    %dma_wait3A_116 = arith.constant 0 : i32
    %dma_wait3A_117 = tpu.memref_slice %arg6[%dma_wait3A, %dma_wait3A_115, %dma_wait3A_116] : memref<6x128x128xf32, #tpu.memory_space<vmem>> -> memref<1x128x128xf32, #tpu.memory_space<vmem>>
    %dma_wait3A_118 = tpu.memref_squeeze %dma_wait3A_117 : memref<1x128x128xf32, #tpu.memory_space<vmem>> -> memref<128x128xf32, #tpu.memory_space<vmem>>
    tpu.wait_dma2 semaphore(%arg14 : memref<!tpu.dma_semaphore, #tpu.memory_space<semaphore_mem>>) src(%dma_wait3A_118 : memref<128x128xf32, #tpu.memory_space<vmem>>) dst(%dma_wait3A_114 : memref<128x128xf32, #tpu.memory_space<hbm>>)
    %dma_wait3A_119 = arith.constant 1 : i32
    %dma_wait3A_120 = arith.constant 0 : i32
    %dma_wait3A_121 = arith.constant 0 : i32
    %dma_wait3A_122 = tpu.memref_slice %arg6[%dma_wait3A_119, %dma_wait3A_120, %dma_wait3A_121] : memref<6x128x128xf32, #tpu.memory_space<vmem>> -> memref<1x128x128xf32, #tpu.memory_space<vmem>>
    %dma_wait3A_123 = tpu.memref_squeeze %dma_wait3A_122 : memref<1x128x128xf32, #tpu.memory_space<vmem>> -> memref<128x128xf32, #tpu.memory_space<vmem>>
    %dma_wait3A_124 = arith.constant 0 : i32
    %dma_wait3A_125 = tpu.memref_slice %arg4[%mul3A_2, %dma_wait3A_124] : memref<320000x128xf32, #tpu.memory_space<hbm>> -> memref<128x128xf32, #tpu.memory_space<hbm>>
    %dma_wait3A_126 = arith.constant 0 : i32
    %dma_wait3A_127 = tpu.memref_slice %arg4[%mul3A_2, %dma_wait3A_126] : memref<320000x128xf32, #tpu.memory_space<hbm>> -> memref<128x128xf32, #tpu.memory_space<hbm>>
    %dma_wait3A_128 = arith.constant 0 : i32
    %dma_wait3A_129 = arith.constant 0 : i32
    %dma_wait3A_130 = tpu.memref_slice %arg6[%dma_wait3A_119, %dma_wait3A_128, %dma_wait3A_129] : memref<6x128x128xf32, #tpu.memory_space<vmem>> -> memref<1x128x128xf32, #tpu.memory_space<vmem>>
    %dma_wait3A_131 = tpu.memref_squeeze %dma_wait3A_130 : memref<1x128x128xf32, #tpu.memory_space<vmem>> -> memref<128x128xf32, #tpu.memory_space<vmem>>
    tpu.wait_dma2 semaphore(%arg15 : memref<!tpu.dma_semaphore, #tpu.memory_space<semaphore_mem>>) src(%dma_wait3A_131 : memref<128x128xf32, #tpu.memory_space<vmem>>) dst(%dma_wait3A_127 : memref<128x128xf32, #tpu.memory_space<hbm>>)
    %dma_wait3A_132 = arith.constant 2 : i32
    %dma_wait3A_133 = arith.constant 0 : i32
    %dma_wait3A_134 = arith.constant 0 : i32
    %dma_wait3A_135 = tpu.memref_slice %arg6[%dma_wait3A_132, %dma_wait3A_133, %dma_wait3A_134] : memref<6x128x128xf32, #tpu.memory_space<vmem>> -> memref<1x128x128xf32, #tpu.memory_space<vmem>>
    %dma_wait3A_136 = tpu.memref_squeeze %dma_wait3A_135 : memref<1x128x128xf32, #tpu.memory_space<vmem>> -> memref<128x128xf32, #tpu.memory_space<vmem>>
    %dma_wait3A_137 = arith.constant 0 : i32
    %dma_wait3A_138 = tpu.memref_slice %arg4[%mul3A_2, %dma_wait3A_137] : memref<320000x128xf32, #tpu.memory_space<hbm>> -> memref<128x128xf32, #tpu.memory_space<hbm>>
    %dma_wait3A_139 = arith.constant 0 : i32
    %dma_wait3A_140 = tpu.memref_slice %arg4[%mul3A_2, %dma_wait3A_139] : memref<320000x128xf32, #tpu.memory_space<hbm>> -> memref<128x128xf32, #tpu.memory_space<hbm>>
    %dma_wait3A_141 = arith.constant 0 : i32
    %dma_wait3A_142 = arith.constant 0 : i32
    %dma_wait3A_143 = tpu.memref_slice %arg6[%dma_wait3A_132, %dma_wait3A_141, %dma_wait3A_142] : memref<6x128x128xf32, #tpu.memory_space<vmem>> -> memref<1x128x128xf32, #tpu.memory_space<vmem>>
    %dma_wait3A_144 = tpu.memref_squeeze %dma_wait3A_143 : memref<1x128x128xf32, #tpu.memory_space<vmem>> -> memref<128x128xf32, #tpu.memory_space<vmem>>
    tpu.wait_dma2 semaphore(%arg16 : memref<!tpu.dma_semaphore, #tpu.memory_space<semaphore_mem>>) src(%dma_wait3A_144 : memref<128x128xf32, #tpu.memory_space<vmem>>) dst(%dma_wait3A_140 : memref<128x128xf32, #tpu.memory_space<hbm>>)
    %dma_wait3A_145 = arith.constant 3 : i32
    %dma_wait3A_146 = arith.constant 0 : i32
    %dma_wait3A_147 = arith.constant 0 : i32
    %dma_wait3A_148 = tpu.memref_slice %arg6[%dma_wait3A_145, %dma_wait3A_146, %dma_wait3A_147] : memref<6x128x128xf32, #tpu.memory_space<vmem>> -> memref<1x128x128xf32, #tpu.memory_space<vmem>>
    %dma_wait3A_149 = tpu.memref_squeeze %dma_wait3A_148 : memref<1x128x128xf32, #tpu.memory_space<vmem>> -> memref<128x128xf32, #tpu.memory_space<vmem>>
    %dma_wait3A_150 = arith.constant 0 : i32
    %dma_wait3A_151 = tpu.memref_slice %arg4[%mul3A_2, %dma_wait3A_150] : memref<320000x128xf32, #tpu.memory_space<hbm>> -> memref<128x128xf32, #tpu.memory_space<hbm>>
    %dma_wait3A_152 = arith.constant 0 : i32
    %dma_wait3A_153 = tpu.memref_slice %arg4[%mul3A_2, %dma_wait3A_152] : memref<320000x128xf32, #tpu.memory_space<hbm>> -> memref<128x128xf32, #tpu.memory_space<hbm>>
    %dma_wait3A_154 = arith.constant 0 : i32
    %dma_wait3A_155 = arith.constant 0 : i32
    %dma_wait3A_156 = tpu.memref_slice %arg6[%dma_wait3A_145, %dma_wait3A_154, %dma_wait3A_155] : memref<6x128x128xf32, #tpu.memory_space<vmem>> -> memref<1x128x128xf32, #tpu.memory_space<vmem>>
    %dma_wait3A_157 = tpu.memref_squeeze %dma_wait3A_156 : memref<1x128x128xf32, #tpu.memory_space<vmem>> -> memref<128x128xf32, #tpu.memory_space<vmem>>
    tpu.wait_dma2 semaphore(%arg17 : memref<!tpu.dma_semaphore, #tpu.memory_space<semaphore_mem>>) src(%dma_wait3A_157 : memref<128x128xf32, #tpu.memory_space<vmem>>) dst(%dma_wait3A_153 : memref<128x128xf32, #tpu.memory_space<hbm>>)
    %dma_wait3A_158 = arith.constant 4 : i32
    %dma_wait3A_159 = arith.constant 0 : i32
    %dma_wait3A_160 = arith.constant 0 : i32
    %dma_wait3A_161 = tpu.memref_slice %arg6[%dma_wait3A_158, %dma_wait3A_159, %dma_wait3A_160] : memref<6x128x128xf32, #tpu.memory_space<vmem>> -> memref<1x128x128xf32, #tpu.memory_space<vmem>>
    %dma_wait3A_162 = tpu.memref_squeeze %dma_wait3A_161 : memref<1x128x128xf32, #tpu.memory_space<vmem>> -> memref<128x128xf32, #tpu.memory_space<vmem>>
    %dma_wait3A_163 = arith.constant 0 : i32
    %dma_wait3A_164 = tpu.memref_slice %arg4[%mul3A_2, %dma_wait3A_163] : memref<320000x128xf32, #tpu.memory_space<hbm>> -> memref<128x128xf32, #tpu.memory_space<hbm>>
    %dma_wait3A_165 = arith.constant 0 : i32
    %dma_wait3A_166 = tpu.memref_slice %arg4[%mul3A_2, %dma_wait3A_165] : memref<320000x128xf32, #tpu.memory_space<hbm>> -> memref<128x128xf32, #tpu.memory_space<hbm>>
    %dma_wait3A_167 = arith.constant 0 : i32
    %dma_wait3A_168 = arith.constant 0 : i32
    %dma_wait3A_169 = tpu.memref_slice %arg6[%dma_wait3A_158, %dma_wait3A_167, %dma_wait3A_168] : memref<6x128x128xf32, #tpu.memory_space<vmem>> -> memref<1x128x128xf32, #tpu.memory_space<vmem>>
    %dma_wait3A_170 = tpu.memref_squeeze %dma_wait3A_169 : memref<1x128x128xf32, #tpu.memory_space<vmem>> -> memref<128x128xf32, #tpu.memory_space<vmem>>
    tpu.wait_dma2 semaphore(%arg18 : memref<!tpu.dma_semaphore, #tpu.memory_space<semaphore_mem>>) src(%dma_wait3A_170 : memref<128x128xf32, #tpu.memory_space<vmem>>) dst(%dma_wait3A_166 : memref<128x128xf32, #tpu.memory_space<hbm>>)
    %dma_wait3A_171 = arith.constant 5 : i32
    %dma_wait3A_172 = arith.constant 0 : i32
    %dma_wait3A_173 = arith.constant 0 : i32
    %dma_wait3A_174 = tpu.memref_slice %arg6[%dma_wait3A_171, %dma_wait3A_172, %dma_wait3A_173] : memref<6x128x128xf32, #tpu.memory_space<vmem>> -> memref<1x128x128xf32, #tpu.memory_space<vmem>>
    %dma_wait3A_175 = tpu.memref_squeeze %dma_wait3A_174 : memref<1x128x128xf32, #tpu.memory_space<vmem>> -> memref<128x128xf32, #tpu.memory_space<vmem>>
    %dma_wait3A_176 = arith.constant 0 : i32
    %dma_wait3A_177 = tpu.memref_slice %arg4[%mul3A_2, %dma_wait3A_176] : memref<320000x128xf32, #tpu.memory_space<hbm>> -> memref<128x128xf32, #tpu.memory_space<hbm>>
    %dma_wait3A_178 = arith.constant 0 : i32
    %dma_wait3A_179 = tpu.memref_slice %arg4[%mul3A_2, %dma_wait3A_178] : memref<320000x128xf32, #tpu.memory_space<hbm>> -> memref<128x128xf32, #tpu.memory_space<hbm>>
    %dma_wait3A_180 = arith.constant 0 : i32
    %dma_wait3A_181 = arith.constant 0 : i32
    %dma_wait3A_182 = tpu.memref_slice %arg6[%dma_wait3A_171, %dma_wait3A_180, %dma_wait3A_181] : memref<6x128x128xf32, #tpu.memory_space<vmem>> -> memref<1x128x128xf32, #tpu.memory_space<vmem>>
    %dma_wait3A_183 = tpu.memref_squeeze %dma_wait3A_182 : memref<1x128x128xf32, #tpu.memory_space<vmem>> -> memref<128x128xf32, #tpu.memory_space<vmem>>
    tpu.wait_dma2 semaphore(%arg19 : memref<!tpu.dma_semaphore, #tpu.memory_space<semaphore_mem>>) src(%dma_wait3A_183 : memref<128x128xf32, #tpu.memory_space<vmem>>) dst(%dma_wait3A_179 : memref<128x128xf32, #tpu.memory_space<hbm>>)
    %scan3A_184 = arith.constant 0 : i32
    %scan3A_185 = arith.constant 0 : i32
    %mul3A_186 = arith.constant 16 : i32
    %mul3A_187 = arith.muli %scan3A_185, %mul3A_186 : i32
    %add3A_188 = arith.constant 9984 : i32
    %add3A_189 = arith.addi %add3A_188, %mul3A_187 : i32
    %get3A = arith.index_cast %add3A_189 : i32 to index
    %get3A_190 = tpu.vector_load %arg5[%get3A] {strides = array<i32>} : memref<10000xi32, #tpu.memory_space<vmem>>, vector<16xi32>,
    %get3A_191 = vector.shape_cast %get3A_190 : vector<16xi32> to vector<16xi32>
    %add3A_192 = vector.broadcast %mul3A_6 : i32 to vector<16xi32>
    %add3A_193 = arith.addi %get3A_191, %add3A_192 : vector<16xi32>
    %swap3A = arith.index_cast %add3A_189 : i32 to index
    %swap3A_194 = tpu.vector_load %arg5[%swap3A] {strides = array<i32>} : memref<10000xi32, #tpu.memory_space<vmem>>, vector<16xi32>,
    %swap3A_195 = vector.shape_cast %swap3A_194 : vector<16xi32> to vector<16xi32>
    %swap3A_196 = vector.shape_cast %add3A_193 : vector<16xi32> to vector<16xi32>
    tpu.vector_store %arg5[%swap3A], %swap3A_196 {strides = array<i32>} : memref<10000xi32, #tpu.memory_space<vmem>>, vector<16xi32>,
    %scan3A_197 = arith.constant 1 : i32
    %dma_start3A_198 = arith.constant 0 : i32
    %dma_start3A_199 = arith.constant 0 : i32
    %dma_start3A_200 = arith.constant 0 : i32
    %dma_start3A_201 = tpu.memref_slice %arg6[%dma_start3A_198, %dma_start3A_199, %dma_start3A_200] : memref<6x128x128xf32, #tpu.memory_space<vmem>> -> memref<1x16x128xf32, #tpu.memory_space<vmem>>
    %dma_start3A_202 = tpu.memref_squeeze %dma_start3A_201 : memref<1x16x128xf32, #tpu.memory_space<vmem>> -> memref<16x128xf32, #tpu.memory_space<vmem>>
    %dma_start3A_203 = arith.constant 9984 : i32
    %dma_start3A_204 = tpu.memref_slice %arg5[%dma_start3A_203] : memref<10000xi32, #tpu.memory_space<vmem>> -> memref<16xi32, #tpu.memory_space<vmem>>
    %dma_start3A_205 = arith.constant 0 : i32
    %dma_start3A_206 = arith.constant 0 : i32
    %dma_start3A_207 = tpu.memref_slice %arg7[%dma_start3A_205, %dma_start3A_206] : memref<144x128xf32, #tpu.memory_space<vmem_shared>> -> memref<144x128xf32, #tpu.memory_space<vmem_shared>>
    tpu.enqueue_indirect_dma source(%dma_start3A_207 : memref<144x128xf32, #tpu.memory_space<vmem_shared>>) target(%dma_start3A_202 : memref<16x128xf32, #tpu.memory_space<vmem>>) offsets(%dma_start3A_204 : memref<16xi32, #tpu.memory_space<vmem>>) semaphore(%arg8 : memref<!tpu.dma_semaphore, #tpu.memory_space<semaphore_mem>>)
    %dma_wait3A_208 = arith.constant 0 : i32
    %dma_wait3A_209 = arith.constant 0 : i32
    %dma_wait3A_210 = arith.constant 0 : i32
    %dma_wait3A_211 = tpu.memref_slice %arg6[%dma_wait3A_208, %dma_wait3A_209, %dma_wait3A_210] : memref<6x128x128xf32, #tpu.memory_space<vmem>> -> memref<1x16x128xf32, #tpu.memory_space<vmem>>
    %dma_wait3A_212 = tpu.memref_squeeze %dma_wait3A_211 : memref<1x16x128xf32, #tpu.memory_space<vmem>> -> memref<16x128xf32, #tpu.memory_space<vmem>>
    %dma_wait3A_213 = arith.constant 9984 : i32
    %dma_wait3A_214 = tpu.memref_slice %arg5[%dma_wait3A_213] : memref<10000xi32, #tpu.memory_space<vmem>> -> memref<16xi32, #tpu.memory_space<vmem>>
    %dma_wait3A_215 = arith.constant 0 : i32
    %dma_wait3A_216 = arith.constant 0 : i32
    %dma_wait3A_217 = tpu.memref_slice %arg7[%dma_wait3A_215, %dma_wait3A_216] : memref<144x128xf32, #tpu.memory_space<vmem_shared>> -> memref<144x128xf32, #tpu.memory_space<vmem_shared>>
    tpu.wait_indirect_dma semaphore(%arg8 : memref<!tpu.dma_semaphore, #tpu.memory_space<semaphore_mem>>) src(%dma_wait3A_217 : memref<144x128xf32, #tpu.memory_space<vmem_shared>>) dst(%dma_wait3A_212 : memref<16x128xf32, #tpu.memory_space<vmem>>)
    %add3A_218 = arith.constant 9984 : i32
    %add3A_219 = arith.addi %mul3A_2, %add3A_218 : i32
    %run_scoped3A = arith.constant 0 : i32
    "tpu.region"() ({
      %run_scoped3A_220 = tpu.sem_alloc : memref<!tpu.dma_semaphore, #tpu.memory_space<semaphore_mem>>
      %dma_start3A_221 = arith.constant 0 : i32
      %dma_start3A_222 = arith.constant 0 : i32
      %dma_start3A_223 = tpu.memref_slice %arg6[%run_scoped3A, %dma_start3A_221, %dma_start3A_222] : memref<6x128x128xf32, #tpu.memory_space<vmem>> -> memref<1x16x128xf32, #tpu.memory_space<vmem>>
      %dma_start3A_224 = tpu.memref_squeeze %dma_start3A_223 : memref<1x16x128xf32, #tpu.memory_space<vmem>> -> memref<16x128xf32, #tpu.memory_space<vmem>>
      %dma_start3A_225 = arith.constant 0 : i32
      %dma_start3A_226 = tpu.memref_slice %arg4[%add3A_219, %dma_start3A_225] : memref<320000x128xf32, #tpu.memory_space<hbm>> -> memref<16x128xf32, #tpu.memory_space<hbm>>
      %dma_start3A_227 = arith.constant 0 : i32
      %dma_start3A_228 = tpu.memref_slice %arg4[%add3A_219, %dma_start3A_227] : memref<320000x128xf32, #tpu.memory_space<hbm>> -> memref<16x128xf32, #tpu.memory_space<hbm>>
      %dma_start3A_229 = arith.constant 0 : i32
      %dma_start3A_230 = arith.constant 0 : i32
      %dma_start3A_231 = tpu.memref_slice %arg6[%run_scoped3A, %dma_start3A_229, %dma_start3A_230] : memref<6x128x128xf32, #tpu.memory_space<vmem>> -> memref<1x16x128xf32, #tpu.memory_space<vmem>>
      %dma_start3A_232 = tpu.memref_squeeze %dma_start3A_231 : memref<1x16x128xf32, #tpu.memory_space<vmem>> -> memref<16x128xf32, #tpu.memory_space<vmem>>
      tpu.enqueue_dma source(%dma_start3A_232 : memref<16x128xf32, #tpu.memory_space<vmem>>) target(%dma_start3A_228 : memref<16x128xf32, #tpu.memory_space<hbm>>) target_semaphore(%run_scoped3A_220 : memref<!tpu.dma_semaphore, #tpu.memory_space<semaphore_mem>>)
      %dma_wait3A_233 = arith.constant 0 : i32
      %dma_wait3A_234 = arith.constant 0 : i32
      %dma_wait3A_235 = tpu.memref_slice %arg6[%run_scoped3A, %dma_wait3A_233, %dma_wait3A_234] : memref<6x128x128xf32, #tpu.memory_space<vmem>> -> memref<1x16x128xf32, #tpu.memory_space<vmem>>
      %dma_wait3A_236 = tpu.memref_squeeze %dma_wait3A_235 : memref<1x16x128xf32, #tpu.memory_space<vmem>> -> memref<16x128xf32, #tpu.memory_space<vmem>>
      %dma_wait3A_237 = arith.constant 0 : i32
      %dma_wait3A_238 = tpu.memref_slice %arg4[%add3A_219, %dma_wait3A_237] : memref<320000x128xf32, #tpu.memory_space<hbm>> -> memref<16x128xf32, #tpu.memory_space<hbm>>
      %dma_wait3A_239 = arith.constant 0 : i32
      %dma_wait3A_240 = tpu.memref_slice %arg4[%add3A_219, %dma_wait3A_239] : memref<320000x128xf32, #tpu.memory_space<hbm>> -> memref<16x128xf32, #tpu.memory_space<hbm>>
      %dma_wait3A_241 = arith.constant 0 : i32
      %dma_wait3A_242 = arith.constant 0 : i32
      %dma_wait3A_243 = tpu.memref_slice %arg6[%run_scoped3A, %dma_wait3A_241, %dma_wait3A_242] : memref<6x128x128xf32, #tpu.memory_space<vmem>> -> memref<1x16x128xf32, #tpu.memory_space<vmem>>
      %dma_wait3A_244 = tpu.memref_squeeze %dma_wait3A_243 : memref<1x16x128xf32, #tpu.memory_space<vmem>> -> memref<16x128xf32, #tpu.memory_space<vmem>>
      tpu.wait_dma2 semaphore(%run_scoped3A_220 : memref<!tpu.dma_semaphore, #tpu.memory_space<semaphore_mem>>) src(%dma_wait3A_244 : memref<16x128xf32, #tpu.memory_space<vmem>>) dst(%dma_wait3A_240 : memref<16x128xf32, #tpu.memory_space<hbm>>)
      tpu.yield
    }) : () -> ()
    return
  }
}

</mosaic_0001>

<sc_bundles>
// kernel: kernel.3.cloned.1.call-start
scs
__scs_entry_jumppad:
0x0: {  	(pc) =	sbr.rel $0x88, $3  }
0x1: {  	(tag) =	ssettag $0x0;
	lr =	simm.s32 $0x1  }
0x2: {  	[smem:$0x3F9F] =	sst lr;
	_ =	strace $0xD0000000  }
0x3: {  	_ = 	snop  }
0x4: {  	_ = 	snop  }
0x5: {  	_ = 	snop  }
0x6: {  	_ = 	snop  }
0x7: {  	_ = 	snop  }
__scs_overlays_trampoline_lowered:
0x8: {  	[smem:$0x3FAE] =	sst s0  }
0x9: {  	[smem:$0x3FAF] =	sst s1  }
0xa: {  	[smem:$0x3FB0] =	sst s2  }
0xb: {  	[smem:$0x3FB1] =	sst s3  }
0xc: {  	[smem:$0x3FB2] =	sst s4  }
0xd: {  	[smem:$0x3FB3] =	sst s5  }
0xe: {  	[smem:$0x3FB4] =	sst s6  }
0xf: {  	[smem:$0x3FB5] =	sst s7  }
0x10: {  	[smem:$0x3FB6] =	sst s8  }
0x11: {  	[smem:$0x3FB7] =	sst s9;
	s0 =	simm.s32 @!p0 $0x0  }
0x12: {  	s1 =	sld [smem:$0x3F9D];
	s0 =	simm.s32 @p0 $0x1  }
0x13: {  	[smem:$0x3FB8] =	sst s0;
	s0 =	simm.s32 @!p1 $0x0  }
0x14: {  	s2 =	sld [smem:$0x3F9C];
	s0 =	simm.s32 @p1 $0x1  }
0x15: {  	[smem:$0x3FB9] =	sst s0;
	s0 =	simm.s32 @!p2 $0x0  }
0x16: {  	s3 =	sld [smem:$0x3FDB];
	s0 =	simm.s32 @p2 $0x1  }
0x17: {  	s4 =	simm.s32 $0x1BF5;
	[smem:$0x3FBB] =	sst s0  }
0x18: {  	s0 =	sld [smem:$0x3F9E];
	_ =	swait.ge [sflag:s4], $0x0  }
0x19: {  	s7 =	sld [smem:$0x3F9F]  }
0x1a: {  	s8 =	sadd.s32 $0xFFFFE003, lr  }
0x1b: {  	s9 =	sadd.s32 $0xFFFFFEF7, lr;
	s5 =	simm.s32 $0xFFFFFFFF;
	p2 =	slt.u32 s8, $0xFFFFF086  }
0x1c: {  	p1 =	slt.u32 s9, $0xF7A;
	s5 =	simm.s32 @!p2 $0x0  }
0x1d: {  	s5 =	simm.s32 @p1 $0x1;
	p0 =	seq.s32 s7, s2  }
0x1e: {  	s7 =	smul.u32 @!p0 $0xF7A, s2;
	p2 =	seq.s32 @!p0 s5, $0x0  }
0x1f: {  	s9 =	smul.u32 $0xF7A, s1;
	s8 =	simm.s32 @!p0 $0x1BF5;
	p2 =	por !p2, p0  }
0x20: {  	[sflag:s8] =	ssyncset.s32 @!p0 $0xFFFFF086;
	s6 =	sadd.s32 @!p0 s3, s7;
	s7 =	simm.s32 @!p0 $0x108  }
0x21: {  	s3 =	sadd.s32 s3, s9;
	s6 =	sadd.s32 @!p0 $0x88, s6;
	s7 =	simm.s32 @p2 $0x1082  }
0x22: {  	[simem:s7], [sflag:s8] =	dma.local @!p0 [hbm:s6], $0xF7A  }
0x23: {  	s9 =	sor.u32 $0xD0000000, s2;
	s6 =	simm.s32 $0x108;
	_ =	swait.ge @!p0 [sflag:s8], $0x0  }
0x24: {  	s3 =	sadd.s32 $0x88, s3;
	s6 =	simm.s32 @!p1 $0x1082;
	[sflag:s4] =	ssyncset.s32 $0xFFFFF086  }
0x25: {  	[simem:s6], [sflag:s4] =	dma.local [hbm:s3], $0xF7A  }
0x26: {  	[smem:$0x3F9F] =	sst s1;
	(tag) =	ssettag s2;
	_ =	strace s9  }
0x27: {  	s1 =	sld [smem:$0x3FAF]  }
0x28: {  	s2 =	sld [smem:$0x3FB0]  }
0x29: {  	s4 =	sld [smem:$0x3FB2]  }
0x2a: {  	p0 =	seq.s32 s5, $0x0;
	s5 =	sld [smem:$0x3FB3]  }
0x2b: {  	s6 =	sld [smem:$0x3FB4]  }
0x2c: {  	s7 =	sld [smem:$0x3FB5]  }
0x2d: {  	s3 =	simm.s32 $0x108;
	s8 =	sld [smem:$0x3FB6]  }
0x2e: {  	s3 =	simm.s32 @!p0 $0x1082;
	s9 =	sld [smem:$0x3FB7]  }
0x2f: {  	lr =	sadd.s32 s0, s3;
	s0 =	sld [smem:$0x3FAE]  }
0x30: {  	s3 =	sld [smem:$0x3FB1]  }
0x31: {  	[smem:$0x3FBA] =	sst s10  }
0x32: {  	s10 =	sld [smem:$0x3FB8];
	_ =	sdelay $0x3  }
0x33: {  	p0 =	seq.s32 s10, $0x1;
	s10 =	sld [smem:$0x3FBA];
	_ =	sdelay $0x3  }
0x34: {  	[smem:$0x3FBA] =	sst s10  }
0x35: {  	s10 =	sld [smem:$0x3FB9];
	_ =	sdelay $0x3  }
0x36: {  	p1 =	seq.s32 s10, $0x1;
	s10 =	sld [smem:$0x3FBA];
	_ =	sdelay $0x3  }
0x37: {  	[smem:$0x3FBA] =	sst s10  }
0x38: {  	s10 =	sld [smem:$0x3FBB]  }
0x39: {  	_ = 	snop;
	(pc) =	sbr.ind lr, $3  }
0x3a: {  	_ = 	snop  }
0x3b: {  	_ = 	snop  }
0x3c: {  	p2 =	seq.s32 s10, $0x1;
	s10 =	sld [smem:$0x3FBA]  }
0x3d: {  	_ =	shalt  }
0x3e: {  	_ =	shalt  }
0x3f: {  	_ =	shalt  }
0x40: {  	_ =	shalt  }
0x41: {  	_ =	shalt  }
0x42: {  	_ =	shalt  }
0x43: {  	_ =	shalt  }
0x44: {  	_ =	shalt  }
0x45: {  	_ =	shalt  }
0x46: {  	_ =	shalt  }
0x47: {  	_ =	shalt  }
0x48: {  	_ =	shalt  }
0x49: {  	_ =	shalt  }
0x4a: {  	_ =	shalt  }
0x4b: {  	_ =	shalt  }
0x4c: {  	_ =	shalt  }
0x4d: {  	_ =	shalt  }
0x4e: {  	_ =	shalt  }
0x4f: {  	_ =	shalt  }
0x50: {  	_ =	shalt  }
0x51: {  	_ =	shalt  }
0x52: {  	_ =	shalt  }
0x53: {  	_ =	shalt  }
0x54: {  	_ =	shalt  }
0x55: {  	_ =	shalt  }
0x56: {  	_ =	shalt  }
0x57: {  	_ =	shalt  }
0x58: {  	_ =	shalt  }
0x59: {  	_ =	shalt  }
0x5a: {  	_ =	shalt  }
0x5b: {  	_ =	shalt  }
0x5c: {  	_ =	shalt  }
0x5d: {  	_ =	shalt  }
0x5e: {  	_ =	shalt  }
0x5f: {  	_ =	shalt  }
0x60: {  	_ =	shalt  }
0x61: {  	_ =	shalt  }
0x62: {  	_ =	shalt  }
0x63: {  	_ =	shalt  }
0x64: {  	_ =	shalt  }
0x65: {  	_ =	shalt  }
0x66: {  	_ =	shalt  }
0x67: {  	_ =	shalt  }
0x68: {  	_ =	shalt  }
0x69: {  	_ =	shalt  }
0x6a: {  	_ =	shalt  }
0x6b: {  	_ =	shalt  }
0x6c: {  	_ =	shalt  }
0x6d: {  	_ =	shalt  }
0x6e: {  	_ =	shalt  }
0x6f: {  	_ =	shalt  }
0x70: {  	_ =	shalt  }
0x71: {  	_ =	shalt  }
0x72: {  	_ =	shalt  }
0x73: {  	_ =	shalt  }
0x74: {  	_ =	shalt  }
0x75: {  	_ =	shalt  }
0x76: {  	_ =	shalt  }
0x77: {  	_ =	shalt  }
0x78: {  	_ =	shalt  }
0x79: {  	_ =	shalt  }
0x7a: {  	_ =	shalt  }
0x7b: {  	_ =	shalt  }
0x7c: {  	_ =	shalt  }
0x7d: {  	_ =	shalt  }
0x7e: {  	_ =	shalt  }
0x7f: {  	_ =	shalt  }
0x80: {  	_ =	shalt  }
0x81: {  	_ =	shalt  }
0x82: {  	_ =	shalt  }
0x83: {  	_ =	shalt  }
0x84: {  	_ =	shalt  }
0x85: {  	_ =	shalt  }
0x86: {  	_ =	shalt  }
0x87: {  	_ =	shalt  }
.Lfunc_end0:
.L_simem_size_0:
called_computation_lowered:
.L_overlay_start_0:
0x88: {  	s2 =	sld [smem:$0x3FD9]  }
0x89: {  	s3 =	sld [smem:$0x3FFE];
	_ =	sdelay $0x1  }
0x8a: {  	s1 =	srdreg.scid  }
0x8b: {  	s0 =	sand.u32 $0x1, s1  }
0x8c: {  	s17 =	sshll.u32 s0, $0xA;
	s2 =	sadd.s32 s3, s2  }
0x8d: {  	s2 =	sadd.s32 s2, s17  }
0x8e: {  	[smem:$0x3FC6] =	sst s2  }
0x8f: {  	_ = 	snop  }
0x90: {  	s2 =	sld [smem:$0x3FC8]  }
0x91: {  	s18 =	sld [smem:$0x3FD0];
	(tm) =	ssettm $0x1  }
0x92: {  	s4 =	sld [smem:$0x3FFB];
	_ =	sdelay $0x3  }
0x93: {  	_ =	strace s4  }
0x94: {  	s4 =	sld [smem:$0x3FFC];
	_ =	sdelay $0x3  }
0x95: {  	_ =	strace s4  }
0x96: {  	s4 =	sld [smem:$0x3FFD];
	_ =	sdelay $0x3  }
0x97: {  	_ =	strace s4  }
0x98: {  	_ =	strace $0x8FFFFFFF  }
0x99: {  	s19 =	sld [smem:$0x3FDB];
	_ =	sdelay $0x1  }
0x9a: {  	s5 =	simm.s32 $_scs_section_size  }
0x9b: {  	s6 =	simm.s32 $_size__tile_overlayer_lowered;
	s7 =	simm.s32 $_tile_overlayer_lowered  }
0x9c: {  	s22 =	simm.s32 $0x1BFF;
	s21 =	sshll.u32 s7, $0x1;
	s4 =	sadd.s32 s5, s19  }
0x9d: {  	s8 =	simm.s32 $0x0;
	s20 =	sshll.u32 s6, $0x1;
	s6 =	sadd.s32 s21, s4  }
0x9e: {  	[timem:s8], [sflag:s22] =	dma.local [hbm:s6], s20  }
0x9f: {  	_ =	swait.ge [sflag:s22], s20  }
0xa0: {  	s5 =	ssub.s32 $0x0, s20;
	[sflag:s22] =	ssyncset.done $0x0  }
0xa1: {  	[sflag:s22] =	ssyncadd.s32 s5;
	_ =	sdelay $0x1  }
0xa2: {  	s23 =	simm.s32 $0x1B8B  }
0xa3: {  	_ =	swait.ge [sflag:s23], $0x1  }
0xa4: {  	[sflag:s23] =	ssyncset.done $0x0  }
0xa5: {  	s25 =	simm.s32 $0x1B8E;
	s24 =	sld [smem:$0x3FFE];
	[sflag:s23] =	ssyncadd.s32 $0xFFFFFFFF  }
0xa6: {  	s26 =	simm.s32 $execute0_lowered;
	[smem:$0x3FD2] =	sst s25  }
0xa7: {  	s6 =	sshll.u32 s26, $0x1;
	_ =	strace $0x80000046;
	[dreg:$0x1] =	wrdreg $0xFFFFFFFF  }
0xa8: {  	s28 =	simm.s32 $_size_execute0_lowered;
	s4 =	sadd.s32 s4, s6;
	[dreg:$0x0] =	wrdreg $0x0  }
0xa9: {  	s6 =	sshll.u32 s28, $0x1;
	[dreg:$0x2] =	wrdreg s4  }
0xaa: {  	[dreg:$0x3] =	wrdreg s6  }
0xab: {  	[dreg:$0x4] =	wrdreg $0xC0  }
0xac: {  	_ =	task [dreg:s8], $0x5FFFF  }
0xad: {  	[dreg:$0x1] =	wrdreg $0xFFFFFFFF  }
0xae: {  	[dreg:$0x0] =	wrdreg $0x60  }
0xaf: {  	[dreg:$0x2] =	wrdreg s24  }
0xb0: {  	[dreg:$0x3] =	wrdreg s2  }
0xb1: {  	[dreg:$0x4] =	wrdreg s18  }
0xb2: {  	[dreg:$0x5] =	wrdreg $0x1A7800  }
0xb3: {  	[dreg:$0x6] =	wrdreg $0x9  }
0xb4: {  	_ =	task.clear_ibuf [dreg:s8], $0x7FFFF;
	_ =	strace $0x90000046  }
0xb5: {  	s29 =	simm.s32 $0x9;
	_ =	strace $0x80000048  }
0xb6: {  	_ =	swait.ge [sflag:s29], $0x1  }
0xb7: {  	[sflag:s29] =	ssyncadd.s32 $0xFFFFFFFF  }
0xb8: {  	_ =	strace $0x90000048  }
0xb9: {  	_ =	sfence  }
0xba: {  	s30 =	sld [smem:$0x0];
	_ =	sdelay $0x2  }
0xbb: {  	s31 =	sshll.u32 s1, $0xD;
	s1 =	sshrl.u32 s1, $0x2  }
0xbc: {  	s3 =	sand.u32 $0x4000, s31;
	s1 =	sadd.s32 s1, s30  }
0xbd: {  	s0 =	sor.u32 s3, s0;
	s1 =	sshll.u32 s1, $0x11  }
0xbe: {  	s0 =	sor.u32 s1, s0  }
0xbf: {  	s0 =	sadd.s32 $0x8F2B, s0  }
0xc0: {  	[sflag:s0] =	ssyncadd.remote.s32 $0x1  }
0xc1: {  	_ =	sfence.sel $0xFFFF  }
0xc2: {  	[dreg:$0x0] =	wrdreg $0xFFFFFFFF;
	(pc) =	sbr.abs _section_cstart, $3  }
0xc3: {  	[dreg:$0x1] =	wrdreg $0xFFFFFFFF  }
0xc4: {  	_ =	task.clear_ibuf [dreg:s8], $0x2FFFF;
	_ =	strace $0x9FFFFFFF  }
0xc5: {  	(tm) =	ssettm $0x7FFFFFFF  }
tec
execute0_lowered:
.L_overlay_start_1:
0x0: {  	(tag) =	ssettag $0x1  }
0x1: {  	s0 =	rddreg [dreg:$0x0]  }
0x2: {  	s1 =	srdreg.scid;
	s2 =	rddreg [dreg:$0x2]  }
0x3: {  	s11 =	stileid.u32;
	s3 =	rddreg [dreg:$0x3];
	s12 =	simm.s32 $0x80  }
0x4: {  	s13 =	simm.s32 $0x2780;
	s14 =	simm.s32 $0x6780;
	s16 =	simm.s32 $0xA780  }
0x5: {  	s18 =	simm.s32 $0xE780;
	s20 =	simm.s32 $0x12780;
	s28 =	simm.s32 $0x5  }
0x6: {  	s29 =	simm.s32 $0x6;
	s30 =	simm.s32 $0x7;
	s31 =	simm.s32 $0x8  }
0x7: {  	s15 =	simm.s32 $0xC;
	s1 =	sand.u32 $0x1, s1;
	s8 =	smul.u32 $0x1200, s11  }
0x8: {  	s4 =	sshll.u32 s11, $0x1;
	s17 =	smul.u32 $0x9, s11;
	s22 =	sshll.u32 s11, $0x6  }
0x9: {  	s23 =	smul.u32 $0x4E200, s11;
	s11 =	simm.s32 $0xD;
	s5 =	sor.u32 s1, s4  }
0xa: {  	s4 =	simm.s32 $0x0;
	s7 =	ssub.s32 $0x2, s1;
	s1 =	smul.u32 $0x27100, s1  }
0xb: {  	s6 =	smul.u32 $0x2710, s5;
	[smem:$0x7FF] =	sst s4;
	s9 =	sshrl.u32 s7, $0x1  }
0xc: {  	s21 =	sshrl.u32 s8, $0x2;
	s5 =	smul.u32 $0x138800, s5;
	_ =	strace $0x80000047  }
0xd: {  	s9 =	ssub.s32 s7, s9;
	s10 =	sadd.s32 s21, s3;
	s7 =	sor.u32 $0x1C0D, s22  }
0xe: {  	s22 =	simm.s32 $0x16780;
	s21 =	simm.s32 $0x0;
	[dreg:$0x5] =	wrdreg s7  }
0xf: {  	s5 =	sshrl.u32 s5, $0x3;
	s6 =	sshrl.u32 s6, $0x3;
	s26 =	smax.u32 s9, $0x1  }
0x10: {  	s10 =	sshrl.u32 s10, $0x3;
	s5 =	sadd.s32 s2, s5;
	s2 =	sadd.s32 s23, s2  }
.Ltmp0:
0x11: {  	s0 =	sadd.s32 s0, s6;
	[dreg:$0x8] =	wrdreg s26;
	(pc) =	sbr.rel .LBB2_1-.Ltmp0, $4  }
0x12: {  	s23 =	simm.s32 $0x1;
	s26 =	simm.s32 $0x4;
	[dreg:$0x6] =	wrdreg s0  }
0x13: {  	s24 =	sadd.s32 $0x27000, s5;
	s25 =	sadd.s32 s1, s2;
	s2 =	simm.s32 $0x9  }
0x14: {  	s0 =	simm.s32 $0xA;
	s1 =	simm.s32 $0xB;
	[dreg:$0x7] =	wrdreg s24  }
0x15: {  	v0 =	vmov s17;
	s19 =	sadd.s32 $0x2800, s25;
	s24 =	simm.s32 $0x2;
	s25 =	simm.s32 $0x3  }
.LBB2_5:
0x16: {  	_ =	swait.ge [sflag:s30], $0x4000  }
0x17: {  	[sflag:s30] =	ssyncset.done $0x0  }
0x18: {  	[sflag:s30] =	ssyncadd.s32 $0xFFFFC000  }
0x19: {  	_ =	swait.ge [sflag:s31], $0x4000  }
0x1a: {  	[sflag:s31] =	ssyncset.done $0x0  }
0x1b: {  	[sflag:s31] =	ssyncadd.s32 $0xFFFFC000  }
0x1c: {  	_ =	swait.ge [sflag:s2], $0x4000  }
0x1d: {  	[sflag:s2] =	ssyncset.done $0x0  }
0x1e: {  	[sflag:s2] =	ssyncadd.s32 $0xFFFFC000  }
0x1f: {  	_ =	swait.ge [sflag:s0], $0x4000  }
0x20: {  	[sflag:s0] =	ssyncset.done $0x0  }
0x21: {  	[sflag:s0] =	ssyncadd.s32 $0xFFFFC000  }
0x22: {  	_ =	swait.ge [sflag:s1], $0x4000  }
0x23: {  	[sflag:s1] =	ssyncset.done $0x0  }
0x24: {  	[sflag:s1] =	ssyncadd.s32 $0xFFFFC000  }
0x25: {  	_ =	swait.ge [sflag:s15], $0x4000  }
0x26: {  	[sflag:s15] =	ssyncset.done $0x0  }
0x27: {  	[sflag:s15] =	ssyncadd.s32 $0xFFFFC000  }
0x28: {  	v1 =	vld [tilespmem:$0x2700];
	_ =	sdelay $0x4  }
0x29: {  	v1 =	vadd.s32 v0, v1  }
0x2a: {  	s5 =	simm.s32 $0x10;
	s6 =	simm.s32 $0x2700;
	[tilespmem:$0x2700] =	vst v1  }
0x2b: {  	[tilespmem:s13], [sflag:$0x1] =	stream.indirect.gather [spmem:s3], $0x80, s6, s5, $0xb8;
	[tilespmem:$0x1AC00] =	vst v63  }
0x2c: {  	_ =	swait.ge [sflag:s23], $0x800  }
0x2d: {  	[sflag:s23] =	ssyncset.done $0x0  }
0x2e: {  	s9 =	rddreg [dreg:$0x7];
	[sflag:s23] =	ssyncadd.s32 $0xFFFFF800  }
0x2f: {  	[hbm4b:s9+s4] =	stream.linear.scatter [tilespmem:s13], [sflag:$0xD], $0x800, $0x38;
	[tilespmem:$0x1AC00] =	vst v63  }
0x30: {  	_ =	swait.ge [sflag:s11], $0x800  }
0x31: {  	s21 =	sadd.s32 $0x1, s21;
	s17 =	rddreg [dreg:$0x8]  }
0x32: {  	p0 =	sne.s32 s21, s17  }
.Ltmp1:
0x33: {  	_ = 	snop;
	(pc) =	sbr.rel @!p0 .LBB2_6-.Ltmp1, $3  }
0x34: {  	_ =	sdelay $0x1  }
0x35: {  	[sflag:s11] =	ssyncset.done $0x0  }
0x36: {  	[sflag:s11] =	ssyncadd.s32 $0xFFFFF800  }
.LBB2_1:
0x37: {  	s5 =	rddreg [dreg:$0x1]  }
0x38: {  	s6 =	rddreg [dreg:$0x5]  }
0x39: {  	[spmem:s10], [sflag:s6] =	dma.local [hbm:s5], $0x90  }
0x3a: {  	_ =	swait.ge [sflag:s11], $0x90  }
0x3b: {  	[sflag:s11] =	ssyncset.done $0x0  }
0x3c: {  	s6 =	rddreg [dreg:$0x6];
	[sflag:s11] =	ssyncadd.s32 $0xFFFFFF70  }
0x3d: {  	[tilespmem:s4], [sflag:$0xD] =	stream.linear.gather [hbm4b:s6+s4], $0x2710, $0x38;
	[tilespmem:$0x1AC00] =	vst v63  }
0x3e: {  	_ =	swait.ge [sflag:s11], $0x2710  }
0x3f: {  	[sflag:s11] =	ssyncset.done $0x0  }
0x40: {  	[sflag:s11] =	ssyncadd.s32 $0xFFFFD8F0  }
0x41: {  	v1 =	vld [tilespmem:$0x0]  }
0x42: {  	v2 =	vld [tilespmem:$0x10]  }
0x43: {  	v3 =	vld [tilespmem:$0x20]  }
0x44: {  	v4 =	vld [tilespmem:$0x30]  }
0x45: {  	v5 =	vld [tilespmem:$0x40]  }
0x46: {  	v6 =	vld [tilespmem:$0x50];
	v1 =	vadd.s32 v0, v1  }
0x47: {  	[tilespmem:$0x0] =	vst v1;
	v1 =	vadd.s32 v0, v2;
	v2 =	vld [tilespmem:$0x60]  }
0x48: {  	[tilespmem:$0x10] =	vst v1;
	v1 =	vadd.s32 v0, v3;
	v3 =	vld [tilespmem:$0x70]  }
0x49: {  	[tilespmem:$0x20] =	vst v1;
	v1 =	vadd.s32 v0, v4  }
0x4a: {  	[tilespmem:$0x30] =	vst v1;
	v1 =	vadd.s32 v0, v5  }
0x4b: {  	[tilespmem:$0x40] =	vst v1;
	v1 =	vadd.s32 v0, v6  }
0x4c: {  	[tilespmem:$0x50] =	vst v1;
	v1 =	vadd.s32 v0, v2  }
0x4d: {  	[tilespmem:$0x60] =	vst v1;
	v1 =	vadd.s32 v0, v3  }
0x4e: {  	[tilespmem:$0x70] =	vst v1  }
0x4f: {  	[tilespmem:s13], [sflag:$0x1] =	stream.indirect.gather [spmem:s3], $0x80, s4, s12, $0xb8;
	[tilespmem:$0x1AC00] =	vst v63  }
0x50: {  	v1 =	vld [tilespmem:$0x80]  }
0x51: {  	v2 =	vld [tilespmem:$0x90]  }
0x52: {  	v3 =	vld [tilespmem:$0xA0]  }
0x53: {  	v49 =	vld [tilespmem:$0xB0]  }
0x54: {  	v50 =	vld [tilespmem:$0xC0]  }
0x55: {  	v51 =	vld [tilespmem:$0xD0];
	v1 =	vadd.s32 v0, v1  }
0x56: {  	[tilespmem:$0x80] =	vst v1;
	v1 =	vadd.s32 v0, v2;
	v2 =	vld [tilespmem:$0xE0]  }
0x57: {  	[tilespmem:$0x90] =	vst v1;
	v1 =	vadd.s32 v0, v3;
	v3 =	vld [tilespmem:$0xF0]  }
0x58: {  	[tilespmem:$0xA0] =	vst v1;
	v1 =	vadd.s32 v0, v49  }
0x59: {  	[tilespmem:$0xB0] =	vst v1;
	v1 =	vadd.s32 v0, v50  }
0x5a: {  	[tilespmem:$0xC0] =	vst v1;
	v1 =	vadd.s32 v0, v51  }
0x5b: {  	[tilespmem:$0xD0] =	vst v1;
	v1 =	vadd.s32 v0, v2  }
0x5c: {  	[tilespmem:$0xE0] =	vst v1;
	v1 =	vadd.s32 v0, v3  }
0x5d: {  	[tilespmem:$0xF0] =	vst v1  }
0x5e: {  	[tilespmem:s14], [sflag:$0x2] =	stream.indirect.gather [spmem:s3], $0x80, s12, s12, $0xb8;
	[tilespmem:$0x1AC00] =	vst v63  }
0x5f: {  	v1 =	vld [tilespmem:$0x100]  }
0x60: {  	v2 =	vld [tilespmem:$0x110]  }
0x61: {  	v3 =	vld [tilespmem:$0x120]  }
0x62: {  	v52 =	vld [tilespmem:$0x130]  }
0x63: {  	v53 =	vld [tilespmem:$0x140]  }
0x64: {  	v54 =	vld [tilespmem:$0x150];
	v1 =	vadd.s32 v0, v1  }
0x65: {  	[tilespmem:$0x100] =	vst v1;
	v1 =	vadd.s32 v0, v2;
	v2 =	vld [tilespmem:$0x160]  }
0x66: {  	[tilespmem:$0x110] =	vst v1;
	v1 =	vadd.s32 v0, v3;
	v3 =	vld [tilespmem:$0x170]  }
0x67: {  	[tilespmem:$0x120] =	vst v1;
	v1 =	vadd.s32 v0, v52  }
0x68: {  	[tilespmem:$0x130] =	vst v1;
	v1 =	vadd.s32 v0, v53  }
0x69: {  	[tilespmem:$0x140] =	vst v1;
	v1 =	vadd.s32 v0, v54  }
0x6a: {  	[tilespmem:$0x150] =	vst v1;
	v1 =	vadd.s32 v0, v2  }
0x6b: {  	[tilespmem:$0x160] =	vst v1;
	v1 =	vadd.s32 v0, v3  }
0x6c: {  	s7 =	simm.s32 $0x100;
	[tilespmem:$0x170] =	vst v1  }
0x6d: {  	[tilespmem:s16], [sflag:$0x3] =	stream.indirect.gather [spmem:s3], $0x80, s7, s12, $0xb8;
	[tilespmem:$0x1AC00] =	vst v63  }
0x6e: {  	v1 =	vld [tilespmem:$0x180]  }
0x6f: {  	v2 =	vld [tilespmem:$0x190]  }
0x70: {  	v3 =	vld [tilespmem:$0x1A0]  }
0x71: {  	v55 =	vld [tilespmem:$0x1B0]  }
0x72: {  	v56 =	vld [tilespmem:$0x1C0]  }
0x73: {  	v57 =	vld [tilespmem:$0x1D0];
	v1 =	vadd.s32 v0, v1  }
0x74: {  	[tilespmem:$0x180] =	vst v1;
	v1 =	vadd.s32 v0, v2;
	v2 =	vld [tilespmem:$0x1E0]  }
0x75: {  	[tilespmem:$0x190] =	vst v1;
	v1 =	vadd.s32 v0, v3;
	v3 =	vld [tilespmem:$0x1F0]  }
0x76: {  	[tilespmem:$0x1A0] =	vst v1;
	v1 =	vadd.s32 v0, v55  }
0x77: {  	[tilespmem:$0x1B0] =	vst v1;
	v1 =	vadd.s32 v0, v56  }
0x78: {  	[tilespmem:$0x1C0] =	vst v1;
	v1 =	vadd.s32 v0, v57  }
0x79: {  	[tilespmem:$0x1D0] =	vst v1;
	v1 =	vadd.s32 v0, v2  }
0x7a: {  	[tilespmem:$0x1E0] =	vst v1;
	v1 =	vadd.s32 v0, v3  }
0x7b: {  	s8 =	simm.s32 $0x180;
	[tilespmem:$0x1F0] =	vst v1  }
0x7c: {  	[tilespmem:s18], [sflag:$0x4] =	stream.indirect.gather [spmem:s3], $0x80, s8, s12, $0xb8;
	[tilespmem:$0x1AC00] =	vst v63  }
0x7d: {  	v1 =	vld [tilespmem:$0x200]  }
0x7e: {  	v2 =	vld [tilespmem:$0x210]  }
0x7f: {  	v3 =	vld [tilespmem:$0x220]  }
0x80: {  	v58 =	vld [tilespmem:$0x230]  }
0x81: {  	v59 =	vld [tilespmem:$0x240]  }
0x82: {  	v60 =	vld [tilespmem:$0x250];
	v1 =	vadd.s32 v0, v1  }
0x83: {  	[tilespmem:$0x200] =	vst v1;
	v1 =	vadd.s32 v0, v2;
	v2 =	vld [tilespmem:$0x260]  }
0x84: {  	[tilespmem:$0x210] =	vst v1;
	v1 =	vadd.s32 v0, v3;
	v3 =	vld [tilespmem:$0x270]  }
0x85: {  	[tilespmem:$0x220] =	vst v1;
	v1 =	vadd.s32 v0, v58  }
0x86: {  	[tilespmem:$0x230] =	vst v1;
	v1 =	vadd.s32 v0, v59  }
0x87: {  	[tilespmem:$0x240] =	vst v1;
	v1 =	vadd.s32 v0, v60  }
0x88: {  	[tilespmem:$0x250] =	vst v1;
	v1 =	vadd.s32 v0, v2  }
0x89: {  	[tilespmem:$0x260] =	vst v1;
	v1 =	vadd.s32 v0, v3  }
0x8a: {  	s9 =	simm.s32 $0x200;
	[tilespmem:$0x270] =	vst v1  }
0x8b: {  	[tilespmem:s20], [sflag:$0x5] =	stream.indirect.gather [spmem:s3], $0x80, s9, s12, $0xb8;
	[tilespmem:$0x1AC00] =	vst v63  }
0x8c: {  	v1 =	vld [tilespmem:$0x280]  }
0x8d: {  	v2 =	vld [tilespmem:$0x290]  }
0x8e: {  	v3 =	vld [tilespmem:$0x2A0]  }
0x8f: {  	v61 =	vld [tilespmem:$0x2B0]  }
0x90: {  	v62 =	vld [tilespmem:$0x2C0]  }
0x91: {  	v63 =	vld [tilespmem:$0x2D0];
	v1 =	vadd.s32 v0, v1  }
0x92: {  	[tilespmem:$0x280] =	vst v1;
	v1 =	vadd.s32 v0, v2;
	v2 =	vld [tilespmem:$0x2E0]  }
0x93: {  	[tilespmem:$0x290] =	vst v1;
	v1 =	vadd.s32 v0, v3;
	v3 =	vld [tilespmem:$0x2F0]  }
0x94: {  	[tilespmem:$0x2A0] =	vst v1;
	v1 =	vadd.s32 v0, v61  }
0x95: {  	[tilespmem:$0x2B0] =	vst v1;
	v1 =	vadd.s32 v0, v62  }
0x96: {  	[tilespmem:$0x2C0] =	vst v1;
	v1 =	vadd.s32 v0, v63  }
.Ltmp2:
0x97: {  	[tilespmem:$0x2D0] =	vst v1;
	v1 =	vadd.s32 v0, v2;
	(pc) =	sbr.rel .LBB2_2-.Ltmp2, $4  }
0x98: {  	[tilespmem:$0x2E0] =	vst v1;
	v1 =	vadd.s32 v0, v3  }
0x99: {  	s17 =	simm.s32 $0x280;
	[tilespmem:$0x2F0] =	vst v1  }
0x9a: {  	[tilespmem:s22], [sflag:$0x6] =	stream.indirect.gather [spmem:s3], $0x80, s17, s12, $0xb8;
	[tilespmem:$0x1AC00] =	vst v63  }
0x9b: {  	s9 =	smov.u32 s19;
	s17 =	simm.s32 $0x0  }
.LBB2_4:
0x9c: {  	_ =	swait.ge [sflag:s23], $0x4000  }
0x9d: {  	[sflag:s23] =	ssyncset.done $0x0  }
0x9e: {  	s5 =	sadd.s32 $0xFFFFD800, s9;
	[sflag:s23] =	ssyncadd.s32 $0xFFFFC000  }
0x9f: {  	[hbm4b:s5+s4] =	stream.linear.scatter [tilespmem:s13], [sflag:$0x7], $0x4000, $0x38;
	[tilespmem:$0x1AC00] =	vst v63  }
0xa0: {  	_ =	swait.ge [sflag:s24], $0x4000  }
0xa1: {  	[sflag:s24] =	ssyncset.done $0x0  }
0xa2: {  	s8 =	sadd.s32 $0xFFFFE000, s9;
	[sflag:s24] =	ssyncadd.s32 $0xFFFFC000  }
0xa3: {  	[hbm4b:s8+s4] =	stream.linear.scatter [tilespmem:s14], [sflag:$0x8], $0x4000, $0x38;
	[tilespmem:$0x1AC00] =	vst v63  }
0xa4: {  	_ =	swait.ge [sflag:s25], $0x4000  }
0xa5: {  	[sflag:s25] =	ssyncset.done $0x0  }
0xa6: {  	s6 =	sadd.s32 $0xFFFFE800, s9;
	[sflag:s25] =	ssyncadd.s32 $0xFFFFC000  }
0xa7: {  	[hbm4b:s6+s4] =	stream.linear.scatter [tilespmem:s16], [sflag:$0x9], $0x4000, $0x38;
	[tilespmem:$0x1AC00] =	vst v63  }
0xa8: {  	_ =	swait.ge [sflag:s26], $0x4000  }
0xa9: {  	[sflag:s26] =	ssyncset.done $0x0  }
0xaa: {  	s7 =	sadd.s32 $0xFFFFF000, s9;
	[sflag:s26] =	ssyncadd.s32 $0xFFFFC000  }
0xab: {  	[hbm4b:s7+s4] =	stream.linear.scatter [tilespmem:s18], [sflag:$0xA], $0x4000, $0x38;
	[tilespmem:$0x1AC00] =	vst v63  }
0xac: {  	_ =	swait.ge [sflag:s28], $0x4000  }
0xad: {  	[sflag:s28] =	ssyncset.done $0x0  }
0xae: {  	s8 =	sadd.s32 $0xFFFFF800, s9;
	[sflag:s28] =	ssyncadd.s32 $0xFFFFC000  }
0xaf: {  	[hbm4b:s8+s4] =	stream.linear.scatter [tilespmem:s20], [sflag:$0xB], $0x4000, $0x38;
	[tilespmem:$0x1AC00] =	vst v63  }
0xb0: {  	_ =	swait.ge [sflag:s29], $0x4000  }
0xb1: {  	[sflag:s29] =	ssyncset.done $0x0  }
0xb2: {  	s5 =	simm.s32 @!p0 $0x7;
	[sflag:s29] =	ssyncadd.s32 $0xFFFFC000  }
0xb3: {  	[hbm4b:s9+s4] =	stream.linear.scatter [tilespmem:s22], [sflag:$0xC], $0x4000, $0x38;
	[tilespmem:$0x1AC00] =	vst v63  }
0xb4: {  	_ =	swait.ge @!p0 [sflag:s5], $0x4000  }
0xb5: {  	[sflag:s5] =	ssyncset.done @!p0 $0x0  }
0xb6: {  	[sflag:s5] =	ssyncadd.s32 @!p0 $0xFFFFC000;
	s5 =	sshra.s32 @!p0 s17, $0x2  }
0xb7: {  	s7 =	simm.s32 @!p0 $0x80;
	s8 =	simm.s32 @!p0 $0x2780;
	s6 =	sadd.s32 @!p0 $0x300, s5  }
0xb8: {  	[tilespmem:s8], [sflag:$0x1] =	stream.indirect.gather @!p0 [spmem:s3], $0x80, s6, s7, $0xb8;
	[tilespmem:$0x1AC00] =	vst v63  }
0xb9: {  	s6 =	simm.s32 @!p0 $0x8  }
0xba: {  	_ =	swait.ge @!p0 [sflag:s6], $0x4000  }
0xbb: {  	[sflag:s6] =	ssyncset.done @!p0 $0x0  }
0xbc: {  	s8 =	simm.s32 @!p0 $0x6780;
	[sflag:s6] =	ssyncadd.s32 @!p0 $0xFFFFC000;
	s6 =	sadd.s32 @!p0 $0x380, s5  }
0xbd: {  	[tilespmem:s8], [sflag:$0x2] =	stream.indirect.gather @!p0 [spmem:s3], $0x80, s6, s7, $0xb8;
	[tilespmem:$0x1AC00] =	vst v63  }
0xbe: {  	s6 =	simm.s32 @!p0 $0x9  }
0xbf: {  	_ =	swait.ge @!p0 [sflag:s6], $0x4000  }
0xc0: {  	[sflag:s6] =	ssyncset.done @!p0 $0x0  }
0xc1: {  	s8 =	simm.s32 @!p0 $0xA780;
	[sflag:s6] =	ssyncadd.s32 @!p0 $0xFFFFC000;
	s6 =	sadd.s32 @!p0 $0x400, s5  }
0xc2: {  	[tilespmem:s8], [sflag:$0x3] =	stream.indirect.gather @!p0 [spmem:s3], $0x80, s6, s7, $0xb8;
	[tilespmem:$0x1AC00] =	vst v63  }
0xc3: {  	s6 =	simm.s32 @!p0 $0xA  }
0xc4: {  	_ =	swait.ge @!p0 [sflag:s6], $0x4000  }
0xc5: {  	[sflag:s6] =	ssyncset.done @!p0 $0x0  }
0xc6: {  	s8 =	simm.s32 @!p0 $0xE780;
	[sflag:s6] =	ssyncadd.s32 @!p0 $0xFFFFC000;
	s6 =	sadd.s32 @!p0 $0x480, s5  }
0xc7: {  	[tilespmem:s8], [sflag:$0x4] =	stream.indirect.gather @!p0 [spmem:s3], $0x80, s6, s7, $0xb8;
	[tilespmem:$0x1AC00] =	vst v63  }
0xc8: {  	s17 =	sadd.s32 @!p0 $0xC00, s17;
	s6 =	simm.s32 @!p0 $0xB  }
0xc9: {  	p1 =	sne.s32 @!p0 s17, $0x9C00;
	_ =	swait.ge @!p0 [sflag:s6], $0x4000  }
0xca: {  	p1 =	por p0, !p1;
	[sflag:s6] =	ssyncset.done @!p0 $0x0  }
0xcb: {  	s8 =	simm.s32 @!p0 $0x12780;
	[sflag:s6] =	ssyncadd.s32 @!p0 $0xFFFFC000;
	s6 =	sadd.s32 @!p0 $0x500, s5  }
0xcc: {  	[tilespmem:s8], [sflag:$0x5] =	stream.indirect.gather @!p0 [spmem:s3], $0x80, s6, s7, $0xb8;
	[tilespmem:$0x1AC00] =	vst v63  }
.Ltmp3:
0xcd: {  	s6 =	simm.s32 @!p0 $0xC;
	(pc) =	sbr.rel @p1 .LBB2_5-.Ltmp3, $4  }
0xce: {  	_ =	swait.ge @!p0 [sflag:s6], $0x4000  }
0xcf: {  	s9 =	sadd.s32 @!p0 $0x3000, s9;
	[sflag:s6] =	ssyncset.done @!p0 $0x0  }
0xd0: {  	s5 =	sadd.s32 @!p0 $0x580, s5;
	[sflag:s6] =	ssyncadd.s32 @!p0 $0xFFFFC000;
	s6 =	simm.s32 @!p0 $0x16780  }
0xd1: {  	[tilespmem:s6], [sflag:$0x6] =	stream.indirect.gather @!p0 [spmem:s3], $0x80, s5, s7, $0xb8;
	[tilespmem:$0x1AC00] =	vst v63  }
.LBB2_2:
0xd2: {  	p0 =	seq.s32 s17, $0x9000  }
.Ltmp4:
0xd3: {  	_ = 	snop;
	(pc) =	sbr.rel @p0 .LBB2_4-.Ltmp4, $1  }
0xd4: {  	_ =	sdelay $0x3  }
0xd5: {  	s5 =	sshra.s32 s17, $0x2  }
0xd6: {  	v1 =	vld [tilespmem:s5+$0x300]  }
0xd7: {  	v2 =	vld [tilespmem:s5+$0x310]  }
0xd8: {  	v3 =	vld [tilespmem:s5+$0x320]  }
0xd9: {  	v4 =	vld [tilespmem:s5+$0x330]  }
0xda: {  	v5 =	vld [tilespmem:s5+$0x340]  }
0xdb: {  	v6 =	vld [tilespmem:s5+$0x350];
	v1 =	vadd.s32 v0, v1  }
0xdc: {  	[tilespmem:s5+$0x300] =	vst v1;
	v1 =	vadd.s32 v0, v2;
	v2 =	vld [tilespmem:s5+$0x360]  }
0xdd: {  	[tilespmem:s5+$0x310] =	vst v1;
	v1 =	vadd.s32 v0, v3;
	v3 =	vld [tilespmem:s5+$0x370]  }
0xde: {  	v40 =	vld [tilespmem:s5+$0x380];
	[tilespmem:s5+$0x320] =	vst v1;
	v1 =	vadd.s32 v0, v4  }
0xdf: {  	v41 =	vld [tilespmem:s5+$0x390];
	[tilespmem:s5+$0x330] =	vst v1;
	v1 =	vadd.s32 v0, v5  }
0xe0: {  	v42 =	vld [tilespmem:s5+$0x3A0];
	[tilespmem:s5+$0x340] =	vst v1;
	v1 =	vadd.s32 v0, v6  }
0xe1: {  	[tilespmem:s5+$0x350] =	vst v1;
	v1 =	vadd.s32 v0, v2;
	v2 =	vld [tilespmem:s5+$0x3B0]  }
0xe2: {  	[tilespmem:s5+$0x360] =	vst v1;
	v1 =	vadd.s32 v0, v3;
	v3 =	vld [tilespmem:s5+$0x3C0]  }
0xe3: {  	v43 =	vld [tilespmem:s5+$0x3D0];
	[tilespmem:s5+$0x370] =	vst v1;
	v1 =	vadd.s32 v0, v40  }
0xe4: {  	v44 =	vld [tilespmem:s5+$0x3E0];
	[tilespmem:s5+$0x380] =	vst v1;
	v1 =	vadd.s32 v0, v41  }
0xe5: {  	v45 =	vld [tilespmem:s5+$0x3F0];
	[tilespmem:s5+$0x390] =	vst v1;
	v1 =	vadd.s32 v0, v42  }
0xe6: {  	[tilespmem:s5+$0x3A0] =	vst v1;
	v1 =	vadd.s32 v0, v2;
	v2 =	vld [tilespmem:s5+$0x400]  }
0xe7: {  	[tilespmem:s5+$0x3B0] =	vst v1;
	v1 =	vadd.s32 v0, v3;
	v3 =	vld [tilespmem:s5+$0x410]  }
0xe8: {  	v46 =	vld [tilespmem:s5+$0x420];
	[tilespmem:s5+$0x3C0] =	vst v1;
	v1 =	vadd.s32 v0, v43  }
0xe9: {  	v47 =	vld [tilespmem:s5+$0x430];
	[tilespmem:s5+$0x3D0] =	vst v1;
	v1 =	vadd.s32 v0, v44  }
0xea: {  	v48 =	vld [tilespmem:s5+$0x440];
	[tilespmem:s5+$0x3E0] =	vst v1;
	v1 =	vadd.s32 v0, v45  }
0xeb: {  	[tilespmem:s5+$0x3F0] =	vst v1;
	v1 =	vadd.s32 v0, v2;
	v2 =	vld [tilespmem:s5+$0x450]  }
0xec: {  	[tilespmem:s5+$0x400] =	vst v1;
	v1 =	vadd.s32 v0, v3;
	v3 =	vld [tilespmem:s5+$0x460]  }
0xed: {  	v49 =	vld [tilespmem:s5+$0x470];
	[tilespmem:s5+$0x410] =	vst v1;
	v1 =	vadd.s32 v0, v46  }
0xee: {  	v50 =	vld [tilespmem:s5+$0x480];
	[tilespmem:s5+$0x420] =	vst v1;
	v1 =	vadd.s32 v0, v47  }
0xef: {  	v51 =	vld [tilespmem:s5+$0x490];
	[tilespmem:s5+$0x430] =	vst v1;
	v1 =	vadd.s32 v0, v48  }
0xf0: {  	[tilespmem:s5+$0x440] =	vst v1;
	v1 =	vadd.s32 v0, v2;
	v2 =	vld [tilespmem:s5+$0x4A0]  }
0xf1: {  	[tilespmem:s5+$0x450] =	vst v1;
	v1 =	vadd.s32 v0, v3;
	v3 =	vld [tilespmem:s5+$0x4B0]  }
0xf2: {  	v52 =	vld [tilespmem:s5+$0x4C0];
	[tilespmem:s5+$0x460] =	vst v1;
	v1 =	vadd.s32 v0, v49  }
0xf3: {  	v53 =	vld [tilespmem:s5+$0x4D0];
	[tilespmem:s5+$0x470] =	vst v1;
	v1 =	vadd.s32 v0, v50  }
0xf4: {  	v54 =	vld [tilespmem:s5+$0x4E0];
	[tilespmem:s5+$0x480] =	vst v1;
	v1 =	vadd.s32 v0, v51  }
0xf5: {  	[tilespmem:s5+$0x490] =	vst v1;
	v1 =	vadd.s32 v0, v2;
	v2 =	vld [tilespmem:s5+$0x4F0]  }
0xf6: {  	[tilespmem:s5+$0x4A0] =	vst v1;
	v1 =	vadd.s32 v0, v3;
	v3 =	vld [tilespmem:s5+$0x500]  }
0xf7: {  	v55 =	vld [tilespmem:s5+$0x510];
	[tilespmem:s5+$0x4B0] =	vst v1;
	v1 =	vadd.s32 v0, v52  }
0xf8: {  	v56 =	vld [tilespmem:s5+$0x520];
	[tilespmem:s5+$0x4C0] =	vst v1;
	v1 =	vadd.s32 v0, v53  }
0xf9: {  	v57 =	vld [tilespmem:s5+$0x530];
	[tilespmem:s5+$0x4D0] =	vst v1;
	v1 =	vadd.s32 v0, v54  }
0xfa: {  	[tilespmem:s5+$0x4E0] =	vst v1;
	v1 =	vadd.s32 v0, v2;
	v2 =	vld [tilespmem:s5+$0x540]  }
0xfb: {  	[tilespmem:s5+$0x4F0] =	vst v1;
	v1 =	vadd.s32 v0, v3;
	v3 =	vld [tilespmem:s5+$0x550]  }
0xfc: {  	v58 =	vld [tilespmem:s5+$0x560];
	[tilespmem:s5+$0x500] =	vst v1;
	v1 =	vadd.s32 v0, v55  }
0xfd: {  	v59 =	vld [tilespmem:s5+$0x570];
	[tilespmem:s5+$0x510] =	vst v1;
	v1 =	vadd.s32 v0, v56  }
0xfe: {  	v60 =	vld [tilespmem:s5+$0x580];
	[tilespmem:s5+$0x520] =	vst v1;
	v1 =	vadd.s32 v0, v57  }
0xff: {  	[tilespmem:s5+$0x530] =	vst v1;
	v1 =	vadd.s32 v0, v2;
	v2 =	vld [tilespmem:s5+$0x590]  }
0x100: {  	[tilespmem:s5+$0x540] =	vst v1;
	v1 =	vadd.s32 v0, v3;
	v3 =	vld [tilespmem:s5+$0x5A0]  }
0x101: {  	v61 =	vld [tilespmem:s5+$0x5B0];
	[tilespmem:s5+$0x550] =	vst v1;
	v1 =	vadd.s32 v0, v58  }
0x102: {  	v62 =	vld [tilespmem:s5+$0x5C0];
	[tilespmem:s5+$0x560] =	vst v1;
	v1 =	vadd.s32 v0, v59  }
0x103: {  	v63 =	vld [tilespmem:s5+$0x5D0];
	[tilespmem:s5+$0x570] =	vst v1;
	v1 =	vadd.s32 v0, v60  }
0x104: {  	[tilespmem:s5+$0x580] =	vst v1;
	v1 =	vadd.s32 v0, v2;
	v2 =	vld [tilespmem:s5+$0x5E0]  }
0x105: {  	[tilespmem:s5+$0x590] =	vst v1;
	v1 =	vadd.s32 v0, v3;
	v3 =	vld [tilespmem:s5+$0x5F0]  }
0x106: {  	[tilespmem:s5+$0x5A0] =	vst v1;
	v1 =	vadd.s32 v0, v61  }
.Ltmp5:
0x107: {  	[tilespmem:s5+$0x5B0] =	vst v1;
	v1 =	vadd.s32 v0, v62;
	(pc) =	sbr.rel .LBB2_4-.Ltmp5, $4  }
0x108: {  	[tilespmem:s5+$0x5C0] =	vst v1;
	v1 =	vadd.s32 v0, v63  }
0x109: {  	[tilespmem:s5+$0x5D0] =	vst v1;
	v1 =	vadd.s32 v0, v2  }
0x10a: {  	[tilespmem:s5+$0x5E0] =	vst v1;
	v1 =	vadd.s32 v0, v3  }
0x10b: {  	[tilespmem:s5+$0x5F0] =	vst v1  }
.LBB2_6:
0x10c: {  	_ =	sfence.sel $0x180000  }
0x10d: {  	[bflag:$0x0] =	sbarrier.arrive $0xFFFF  }
0x10e: {  	_ =	strace $0x90000047  }
0x10f: {  	s0 =	stileid.u32;
	[bflag:$0x2] =	sbarrier.arrive $0xFFFF  }
0x110: {  	p0 =	sne.s32 s0, $0x0;
	s0 =	rddreg [dreg:$0x4]  }
0x111: {  	s0 =	sadd.s32 @!p0 $0x100000, s0  }
0x112: {  	[sflag:s0] =	ssyncadd.tile.s32 @!p0 $0x1;
	_ =	shalt  }
.Lfunc_end2:
_tile_overlayer_lowered:
.L_overlay_start_2:
0x113: {  	(tag) =	ssettag $0x2  }
0x114: {  	s0 =	rddreg [dreg:$0x0];
	s2 =	stileid.u32  }
0x115: {  	s1 =	rddreg [dreg:$0x1];
	p0 =	sne.s32 s2, $0x0  }
0x116: {  	s3 =	rddreg [dreg:$0x2];
	[bflag:$0x3] =	sbarrier.arrive $0xFFFF;
	s2 =	simm.s32 @!p0 $0x1C0D  }
0x117: {  	[timem:s3], [sflag:s2] =	dma.local @!p0 [hbm:s0], s1  }
0x118: {  	s0 =	simm.s32 @!p0 $0xD  }
0x119: {  	_ =	swait.ge @!p0 [sflag:s0], s1  }
0x11a: {  	s1 =	ssub.s32 @!p0 $0x0, s1;
	[sflag:s0] =	ssyncset.done @!p0 $0x0  }
0x11b: {  	[sflag:s0] =	ssyncadd.s32 @!p0 s1  }
0x11c: {  	[bflag:$0x3] =	sbarrier.arrive $0xFFFF  }
0x11d: {  	_ =	shalt  }

</sc_bundles>
